<compile_context>
chip_gen: v7x
topology: tpu7x:2x2x1
jax: 0.10.2.dev20260603
libtpu: 0.0.44.dev20260713+nightly
codegen_flags: <defaults>
</compile_context>

<pallas_src>
import jax
import jax.numpy as jnp
from jax import lax
from jax.experimental import pallas as pl
from jax.experimental.pallas import tpu as pltpu
from jax.experimental.pallas import tpu_sc as plsc

N = 10000
E = 320000
D = 128
H = 32
A = 8

NC = 2
NS = 16
NW = NC * NS
L = 16

EPT = E // NW
RPT = N // NS

DCH = 1000
DNC = EPT // DCH

AC = 80
ANC = EPT // AC
RZC = RPT // AC
RZT = RPT % AC

ROWS_TC = 2000
GRID_TC = N // ROWS_TC

_mesh = plsc.VectorSubcoreMesh(core_axis_name="c", subcore_axis_name="s",
                               num_cores=NC, num_subcores=NS)
_sc_params = pltpu.CompilerParams(use_tc_tiling_on_sc=False)


def _deg_body(ei_hbm, out_hbm, dst_v, ones_v, zv, acc_sh):
    c = lax.axis_index("c")
    s = lax.axis_index("s")
    wid = c * NS + s
    base = s * RPT

    zeros16 = jnp.zeros((L,), jnp.float32)
    ones16 = jnp.ones((L,), jnp.float32)

    pltpu.sync_copy(ei_hbm.at[1, pl.ds(wid * EPT, EPT)], dst_v)

    def _z(r, _):
        zv[r] = zeros16
        return 0
    lax.fori_loop(0, DCH, _z, 0)
    for t in range(RZC):
        pltpu.sync_copy(zv, acc_sh.at[pl.ds(base + t * AC, AC)])
    pltpu.sync_copy(zv.at[pl.ds(0, RZT)],
                    acc_sh.at[pl.ds(base + RPT - RZT, RZT)])

    def _o(r, _):
        ones_v[r] = ones16
        return 0
    lax.fori_loop(0, DCH, _o, 0)

    plsc.subcore_barrier()

    def _body(j, _):
        pltpu.sync_copy(ones_v, acc_sh.at[dst_v.at[pl.ds(j * DCH, DCH)]],
                        add=True)
        return 0
    lax.fori_loop(0, DNC, _body, 0)

    plsc.subcore_barrier()

    for t in range(RZC):
        pltpu.sync_copy(acc_sh.at[pl.ds(base + t * AC, AC)], zv)
        pltpu.sync_copy(zv, out_hbm.at[c, pl.ds(base + t * AC, AC)])
    pltpu.sync_copy(acc_sh.at[pl.ds(base + RPT - RZT, RZT)],
                    zv.at[pl.ds(0, RZT)])
    pltpu.sync_copy(zv.at[pl.ds(0, RZT)],
                    out_hbm.at[c, pl.ds(base + RPT - RZT, RZT)])


_deg_kernel = pl.kernel(
    _deg_body,
    out_type=jax.ShapeDtypeStruct((NC, N, L), jnp.float32),
    mesh=_mesh,
    scratch_types=[
        pltpu.VMEM((EPT,), jnp.int32),
        pltpu.VMEM((DCH, L), jnp.float32),
        pltpu.VMEM((80, L), jnp.float32),
        pltpu.VMEM_SHARED((N, L), jnp.float32),
    ],
    compiler_params=_sc_params,
)


def _agg_body(g_hbm, ei_hbm, out_hbm, src_v, dst_v, buf_a, buf_b,
              acc_sh, sem_a, sem_b):
    c = lax.axis_index("c")
    s = lax.axis_index("s")
    wid = c * NS + s
    base = s * RPT

    zeros16 = jnp.zeros((L,), jnp.float32)

    pltpu.sync_copy(ei_hbm.at[0, pl.ds(wid * EPT, EPT)], src_v)
    pltpu.sync_copy(ei_hbm.at[1, pl.ds(wid * EPT, EPT)], dst_v)

    @pl.when(c == 0)
    def _():
        pltpu.sync_copy(g_hbm.at[pl.ds(base, RPT)],
                        acc_sh.at[pl.ds(base, RPT)])

    @pl.when(c == 1)
    def _():
        def _z(r, _):
            for k in range(D // L):
                buf_a[r, pl.ds(k * L, L)] = zeros16
            return 0
        lax.fori_loop(0, AC, _z, 0)
        for t in range(RZC):
            pltpu.sync_copy(buf_a, acc_sh.at[pl.ds(base + t * AC, AC)])
        pltpu.sync_copy(buf_a.at[pl.ds(0, RZT)],
                        acc_sh.at[pl.ds(base + RPT - RZT, RZT)])

    plsc.subcore_barrier()

    pltpu.async_copy(g_hbm.at[src_v.at[pl.ds(0, AC)]], buf_a, sem_a)

    def _body(i, _):
        j0 = 2 * i
        j1 = 2 * i + 1
        pltpu.make_async_copy(
            g_hbm.at[src_v.at[pl.ds(j0 * AC, AC)]], buf_a, sem_a).wait()
        pltpu.async_copy(
            g_hbm.at[src_v.at[pl.ds(j1 * AC, AC)]], buf_b, sem_b)
        pltpu.sync_copy(buf_a, acc_sh.at[dst_v.at[pl.ds(j0 * AC, AC)]],
                        add=True)
        pltpu.make_async_copy(
            g_hbm.at[src_v.at[pl.ds(j1 * AC, AC)]], buf_b, sem_b).wait()

        @pl.when(j0 + 2 < ANC)
        def _():
            pltpu.async_copy(
                g_hbm.at[src_v.at[pl.ds((j0 + 2) * AC, AC)]], buf_a, sem_a)

        pltpu.sync_copy(buf_b, acc_sh.at[dst_v.at[pl.ds(j1 * AC, AC)]],
                        add=True)
        return 0
    lax.fori_loop(0, ANC // 2, _body, 0)

    pltpu.make_async_copy(
        g_hbm.at[src_v.at[pl.ds((ANC - 1) * AC, AC)]], buf_a, sem_a).wait()
    pltpu.sync_copy(buf_a, acc_sh.at[dst_v.at[pl.ds((ANC - 1) * AC, AC)]],
                    add=True)

    plsc.subcore_barrier()

    pltpu.sync_copy(acc_sh.at[pl.ds(base, RPT)],
                    out_hbm.at[c, pl.ds(base, RPT)])


_agg_kernel = pl.kernel(
    _agg_body,
    out_type=jax.ShapeDtypeStruct((NC, N, D), jnp.float32),
    mesh=_mesh,
    scratch_types=[
        pltpu.VMEM((EPT,), jnp.int32),
        pltpu.VMEM((EPT,), jnp.int32),
        pltpu.VMEM((AC, D), jnp.float32),
        pltpu.VMEM((AC, D), jnp.float32),
        pltpu.VMEM_SHARED((N, D), jnp.float32),
        pltpu.SemaphoreType.DMA,
        pltpu.SemaphoreType.DMA,
    ],
    compiler_params=_sc_params,
)


def _scale_body(state_ref, wc_ref, degp_ref, g_ref):
    deg = degp_ref[0, :, 0] + degp_ref[1, :, 0] + 1.0
    dinv = lax.rsqrt(deg)
    h = jnp.dot(state_ref[...], wc_ref[...], preferred_element_type=jnp.float32)
    g_ref[...] = h * dinv[:, None]


def _scale_call(state, Wc, degp):
    return pl.pallas_call(
        _scale_body,
        grid=(GRID_TC,),
        in_specs=[
            pl.BlockSpec((ROWS_TC, D), lambda i: (i, 0)),
            pl.BlockSpec((D, D), lambda i: (0, 0)),
            pl.BlockSpec((NC, ROWS_TC, L), lambda i: (0, i, 0)),
        ],
        out_specs=pl.BlockSpec((ROWS_TC, D), lambda i: (i, 0)),
        out_shape=jax.ShapeDtypeStruct((N, D), jnp.float32),
    )(state, Wc, degp)


def _head_body(p_ref, state_ref, degp_ref, bc_ref, w1_ref, b1_ref,
               w2_ref, b2_ref, w3_ref, b3_ref, out_ref, conc_vmem, ssum):
    q = pl.program_id(0)
    i = pl.program_id(1)

    @pl.when(q == 0)
    def _():
        deg = degp_ref[0, :, 0] + degp_ref[1, :, 0] + 1.0
        dinv = lax.rsqrt(deg)
        agg = p_ref[0] + p_ref[1]
        gcn = jnp.maximum(agg * dinv[:, None] + bc_ref[...], 0.0)
        x = gcn + state_ref[...]
        t = jnp.dot(x, w1_ref[...],
                    preferred_element_type=jnp.float32) + b1_ref[...]
        t = jnp.where(t > 0, t, 0.01 * t)
        t = jnp.dot(t, w2_ref[...],
                    preferred_element_type=jnp.float32) + b2_ref[...]
        t = jnp.where(t > 0, t, 0.01 * t)
        t = jnp.sum(t * w3_ref[...], axis=1, keepdims=True) + b3_ref[...]
        conc = jnp.maximum(t, 0.0) + jnp.log1p(jnp.exp(-jnp.abs(t)))
        conc_vmem[pl.ds(i * ROWS_TC, ROWS_TC), :] = conc

        @pl.when(i == 0)
        def _():
            ssum[0, 0] = 0.0
        ssum[0, 0] += jnp.sum(conc)
        out_ref[...] = conc

    @pl.when(q == 1)
    def _():
        out_ref[...] = (conc_vmem[pl.ds(i * ROWS_TC, ROWS_TC), :]
                        / (ssum[0, 0] + 1e-20))


def _head_call(parts, state, degp, bc, W1, b1, W2, b2, W3r, b3):
    return pl.pallas_call(
        _head_body,
        grid=(2, GRID_TC),
        in_specs=[
            pl.BlockSpec((NC, ROWS_TC, D), lambda q, i: (0, i * (1 - q), 0)),
            pl.BlockSpec((ROWS_TC, D), lambda q, i: (i * (1 - q), 0)),
            pl.BlockSpec((NC, ROWS_TC, L), lambda q, i: (0, i * (1 - q), 0)),
            pl.BlockSpec((1, D), lambda q, i: (0, 0)),
            pl.BlockSpec((D, H), lambda q, i: (0, 0)),
            pl.BlockSpec((1, H), lambda q, i: (0, 0)),
            pl.BlockSpec((H, H), lambda q, i: (0, 0)),
            pl.BlockSpec((1, H), lambda q, i: (0, 0)),
            pl.BlockSpec((1, H), lambda q, i: (0, 0)),
            pl.BlockSpec((1, 1), lambda q, i: (0, 0)),
        ],
        out_specs=pl.BlockSpec((ROWS_TC, 1), lambda q, i: (i, 0)),
        out_shape=jax.ShapeDtypeStruct((N, 1), jnp.float32),
        scratch_shapes=[
            pltpu.VMEM((N, 1), jnp.float32),
            pltpu.SMEM((1, 1), jnp.float32),
        ],
    )(parts, state, degp, bc, W1, b1, W2, b2, W3r, b3)


def kernel(state, edge_index, Wc, bc, W1, b1, W2, b2, W3, b3, deterministic=1):
    degp = _deg_kernel(edge_index)
    g = _scale_call(state, Wc, degp)
    parts = _agg_kernel(g, edge_index)
    action = _head_call(parts, state, degp, bc.reshape(1, D), W1,
                        b1.reshape(1, H), W2, b2.reshape(1, H),
                        W3.reshape(1, H), b3.reshape(1, 1))
    return action.reshape(N // A, A)

# --- scband reference (transcript-rebuilt; emitter-appended) ---
"""Pipeline reference for scband-gnnactor-55052890800722 (READ-ONLY COPY).

The authoritative reference and input builder live on the scoring server;
editing this copy changes nothing except your own understanding.
"""

import jax, jax.numpy as jnp
import numpy as np

N = 10000
E = 320000
D = 128
H = 32
A = 8


def setup_inputs(seed: int = 0) -> dict:
    key = jax.random.key(seed)
    ks = jax.random.split(key, 10)
    state = jax.random.normal(ks[0], (N, D), dtype=jnp.float32)
    edge_index = jax.random.randint(ks[1], (2, E), 0, N, dtype=jnp.int32)
    Wc = jax.random.normal(ks[2], (D, D), dtype=jnp.float32) * 0.05
    bc = jnp.zeros((D,), dtype=jnp.float32)
    W1 = jax.random.normal(ks[3], (D, H), dtype=jnp.float32) * 0.05
    b1 = jnp.zeros((H,), dtype=jnp.float32)
    W2 = jax.random.normal(ks[4], (H, H), dtype=jnp.float32) * 0.05
    b2 = jnp.zeros((H,), dtype=jnp.float32)
    W3 = jax.random.normal(ks[5], (H, 1), dtype=jnp.float32) * 0.05
    b3 = jnp.zeros((1,), dtype=jnp.float32)
    return {"state": state, "edge_index": edge_index, "Wc": Wc, "bc": bc,
            "W1": W1, "b1": b1, "W2": W2, "b2": b2, "W3": W3, "b3": b3,
            "deterministic": 1}


def gcn_conv(x, edge_index, Wc, bc):
    # PyG-style GCNConv: add self-loops, symmetric degree normalization,
    # linear transform, scatter-add aggregation, bias.
    src = edge_index[0]
    dst = edge_index[1]
    loop = jnp.arange(N, dtype=src.dtype)
    src2 = jnp.concatenate([src, loop])
    dst2 = jnp.concatenate([dst, loop])
    h = x @ Wc
    deg = jax.ops.segment_sum(jnp.ones(src2.shape[0], dtype=jnp.float32), dst2, num_segments=N)
    deg_inv_sqrt = jnp.where(deg > 0, jax.lax.rsqrt(jnp.maximum(deg, 1e-12)), 0.0)
    norm = deg_inv_sqrt[src2] * deg_inv_sqrt[dst2]
    msg = h[src2] * norm[:, None]
    out = jax.ops.segment_sum(msg, dst2, num_segments=N)
    return out + bc


def reference(state, edge_index, Wc, bc, W1, b1, W2, b2, W3, b3, deterministic=1):
    out = jax.nn.relu(gcn_conv(state, edge_index, Wc, bc))
    x = out + state
    x = x.reshape(-1, A, D)
    x = jax.nn.leaky_relu(x @ W1 + b1, negative_slope=0.01)
    x = jax.nn.leaky_relu(x @ W2 + b2, negative_slope=0.01)
    x = jax.nn.softplus(x @ W3 + b3)
    concentration = x[..., 0]
    # deterministic=True branch of the actor
    action = concentration / (concentration.sum() + 1e-20)
    return action

if __name__ == "__main__":
    import jax
    _d = setup_inputs()
    print(jax.jit(kernel)(*tuple(_d.values())))

</pallas_src>

<mosaic_0001>
#map = affine_map<(d0, d1) -> (0, 0)>
#map1 = affine_map<(d0, d1) -> (0, 0, 0)>
module attributes {stable_mosaic.version = 14 : i64} {
  func.func @_agg_body(%arg0: i32, %arg1: i32, %arg2: memref<10000x128xf32, #tpu.memory_space<hbm>>, %arg3: memref<2x320000xi32, #tpu.memory_space<hbm>>, %arg4: memref<2x10000x128xf32, #tpu.memory_space<hbm>>, %arg5: memref<10000xi32, #tpu.memory_space<vmem>>, %arg6: memref<10000xi32, #tpu.memory_space<vmem>>, %arg7: memref<80x128xf32, #tpu.memory_space<vmem>>, %arg8: memref<80x128xf32, #tpu.memory_space<vmem>>, %arg9: memref<10000x128xf32, #tpu.memory_space<vmem_shared>>, %arg10: memref<!tpu.dma_semaphore, #tpu.memory_space<semaphore_mem>>, %arg11: memref<!tpu.dma_semaphore, #tpu.memory_space<semaphore_mem>>) attributes {dimension_semantics = [#tpu.dimension_semantics<core_parallel>, #tpu.dimension_semantics<subcore_parallel>], iteration_bounds = array<i64: 2, 16>, scalar_prefetch = 0 : i64, scratch_operands = 7 : i64, tpu.core_type = #tpu.core_type<sc_vector_subcore>, window_params = [{transform_indices = #map}, {transform_indices = #map}, {transform_indices = #map1}]} {
    %mul3A = arith.constant 16 : i32
    %mul3A_0 = arith.muli %arg0, %mul3A : i32
    %add3A = arith.addi %mul3A_0, %arg1 : i32
    %mul3A_1 = arith.constant 625 : i32
    %mul3A_2 = arith.muli %arg1, %mul3A_1 : i32
    %broadcast_in_dim3A = arith.constant 0.000000e+00 : f32
    %broadcast_in_dim3A_3 = vector.broadcast %broadcast_in_dim3A : f32 to vector<16xf32>
    %mul3A_4 = arith.constant 10000 : i32
    %mul3A_5 = arith.muli %add3A, %mul3A_4 : i32
    %run_scoped3A = arith.constant 0 : i32
    "tpu.region"() ({
      %run_scoped3A_31 = tpu.sem_alloc : memref<!tpu.dma_semaphore, #tpu.memory_space<semaphore_mem>>
      %dma_start3A_32 = tpu.memref_slice %arg3[%run_scoped3A, %mul3A_5] : memref<2x320000xi32, #tpu.memory_space<hbm>> -> memref<1x10000xi32, #tpu.memory_space<hbm>>
      %dma_start3A_33 = tpu.memref_squeeze %dma_start3A_32 : memref<1x10000xi32, #tpu.memory_space<hbm>> -> memref<10000xi32, #tpu.memory_space<hbm>>
      %dma_start3A_34 = tpu.memref_slice %arg3[%run_scoped3A, %mul3A_5] : memref<2x320000xi32, #tpu.memory_space<hbm>> -> memref<1x10000xi32, #tpu.memory_space<hbm>>
      %dma_start3A_35 = tpu.memref_squeeze %dma_start3A_34 : memref<1x10000xi32, #tpu.memory_space<hbm>> -> memref<10000xi32, #tpu.memory_space<hbm>>
      tpu.enqueue_dma source(%dma_start3A_35 : memref<10000xi32, #tpu.memory_space<hbm>>) target(%arg5 : memref<10000xi32, #tpu.memory_space<vmem>>) target_semaphore(%run_scoped3A_31 : memref<!tpu.dma_semaphore, #tpu.memory_space<semaphore_mem>>)
      %dma_wait3A_36 = tpu.memref_slice %arg3[%run_scoped3A, %mul3A_5] : memref<2x320000xi32, #tpu.memory_space<hbm>> -> memref<1x10000xi32, #tpu.memory_space<hbm>>
      %dma_wait3A_37 = tpu.memref_squeeze %dma_wait3A_36 : memref<1x10000xi32, #tpu.memory_space<hbm>> -> memref<10000xi32, #tpu.memory_space<hbm>>
      %dma_wait3A_38 = tpu.memref_slice %arg3[%run_scoped3A, %mul3A_5] : memref<2x320000xi32, #tpu.memory_space<hbm>> -> memref<1x10000xi32, #tpu.memory_space<hbm>>
      %dma_wait3A_39 = tpu.memref_squeeze %dma_wait3A_38 : memref<1x10000xi32, #tpu.memory_space<hbm>> -> memref<10000xi32, #tpu.memory_space<hbm>>
      tpu.wait_dma2 semaphore(%run_scoped3A_31 : memref<!tpu.dma_semaphore, #tpu.memory_space<semaphore_mem>>) src(%dma_wait3A_39 : memref<10000xi32, #tpu.memory_space<hbm>>) dst(%arg5 : memref<10000xi32, #tpu.memory_space<vmem>>)
      tpu.yield
    }) : () -> ()
    %mul3A_6 = arith.constant 10000 : i32
    %mul3A_7 = arith.muli %add3A, %mul3A_6 : i32
    %run_scoped3A_8 = arith.constant 1 : i32
    "tpu.region"() ({
      %run_scoped3A_31 = tpu.sem_alloc : memref<!tpu.dma_semaphore, #tpu.memory_space<semaphore_mem>>
      %dma_start3A_32 = tpu.memref_slice %arg3[%run_scoped3A_8, %mul3A_7] : memref<2x320000xi32, #tpu.memory_space<hbm>> -> memref<1x10000xi32, #tpu.memory_space<hbm>>
      %dma_start3A_33 = tpu.memref_squeeze %dma_start3A_32 : memref<1x10000xi32, #tpu.memory_space<hbm>> -> memref<10000xi32, #tpu.memory_space<hbm>>
      %dma_start3A_34 = tpu.memref_slice %arg3[%run_scoped3A_8, %mul3A_7] : memref<2x320000xi32, #tpu.memory_space<hbm>> -> memref<1x10000xi32, #tpu.memory_space<hbm>>
      %dma_start3A_35 = tpu.memref_squeeze %dma_start3A_34 : memref<1x10000xi32, #tpu.memory_space<hbm>> -> memref<10000xi32, #tpu.memory_space<hbm>>
      tpu.enqueue_dma source(%dma_start3A_35 : memref<10000xi32, #tpu.memory_space<hbm>>) target(%arg6 : memref<10000xi32, #tpu.memory_space<vmem>>) target_semaphore(%run_scoped3A_31 : memref<!tpu.dma_semaphore, #tpu.memory_space<semaphore_mem>>)
      %dma_wait3A_36 = tpu.memref_slice %arg3[%run_scoped3A_8, %mul3A_7] : memref<2x320000xi32, #tpu.memory_space<hbm>> -> memref<1x10000xi32, #tpu.memory_space<hbm>>
      %dma_wait3A_37 = tpu.memref_squeeze %dma_wait3A_36 : memref<1x10000xi32, #tpu.memory_space<hbm>> -> memref<10000xi32, #tpu.memory_space<hbm>>
      %dma_wait3A_38 = tpu.memref_slice %arg3[%run_scoped3A_8, %mul3A_7] : memref<2x320000xi32, #tpu.memory_space<hbm>> -> memref<1x10000xi32, #tpu.memory_space<hbm>>
      %dma_wait3A_39 = tpu.memref_squeeze %dma_wait3A_38 : memref<1x10000xi32, #tpu.memory_space<hbm>> -> memref<10000xi32, #tpu.memory_space<hbm>>
      tpu.wait_dma2 semaphore(%run_scoped3A_31 : memref<!tpu.dma_semaphore, #tpu.memory_space<semaphore_mem>>) src(%dma_wait3A_39 : memref<10000xi32, #tpu.memory_space<hbm>>) dst(%arg6 : memref<10000xi32, #tpu.memory_space<vmem>>)
      tpu.yield
    }) : () -> ()
    %eq3A = arith.constant 0 : i32
    %eq3A_9 = arith.cmpi eq, %arg0, %eq3A : i32
    %convert_element_type3A = arith.extui %eq3A_9 : i1 to i32
    %cond3A = arith.constant 0 : i32
    %cond3A_10 = arith.cmpi ne, %convert_element_type3A, %cond3A : i32
    scf.if %cond3A_10 {
      "tpu.region"() ({
        %run_scoped3A_31 = tpu.sem_alloc : memref<!tpu.dma_semaphore, #tpu.memory_space<semaphore_mem>>
        %dma_start3A_32 = arith.constant 0 : i32
        %dma_start3A_33 = tpu.memref_slice %arg9[%mul3A_2, %dma_start3A_32] : memref<10000x128xf32, #tpu.memory_space<vmem_shared>> -> memref<625x128xf32, #tpu.memory_space<vmem_shared>>
        %dma_start3A_34 = arith.constant 0 : i32
        %dma_start3A_35 = tpu.memref_slice %arg2[%mul3A_2, %dma_start3A_34] : memref<10000x128xf32, #tpu.memory_space<hbm>> -> memref<625x128xf32, #tpu.memory_space<hbm>>
        tpu.enqueue_dma source(%dma_start3A_35 : memref<625x128xf32, #tpu.memory_space<hbm>>) target(%dma_start3A_33 : memref<625x128xf32, #tpu.memory_space<vmem_shared>>) target_semaphore(%run_scoped3A_31 : memref<!tpu.dma_semaphore, #tpu.memory_space<semaphore_mem>>)
        %dma_wait3A_36 = arith.constant 0 : i32
        %dma_wait3A_37 = tpu.memref_slice %arg9[%mul3A_2, %dma_wait3A_36] : memref<10000x128xf32, #tpu.memory_space<vmem_shared>> -> memref<625x128xf32, #tpu.memory_space<vmem_shared>>
        %dma_wait3A_38 = arith.constant 0 : i32
        %dma_wait3A_39 = tpu.memref_slice %arg2[%mul3A_2, %dma_wait3A_38] : memref<10000x128xf32, #tpu.memory_space<hbm>> -> memref<625x128xf32, #tpu.memory_space<hbm>>
        tpu.wait_dma2 semaphore(%run_scoped3A_31 : memref<!tpu.dma_semaphore, #tpu.memory_space<semaphore_mem>>) src(%dma_wait3A_39 : memref<625x128xf32, #tpu.memory_space<hbm>>) dst(%dma_wait3A_37 : memref<625x128xf32, #tpu.memory_space<vmem_shared>>)
        tpu.yield
      }) : () -> ()
    } else {
    }
    %eq3A_11 = arith.constant 1 : i32
    %eq3A_12 = arith.cmpi eq, %arg0, %eq3A_11 : i32
    %convert_element_type3A_13 = arith.extui %eq3A_12 : i1 to i32
    %cond3A_14 = arith.constant 0 : i32
    %cond3A_15 = arith.cmpi ne, %convert_element_type3A_13, %cond3A_14 : i32
    scf.if %cond3A_15 {
      %scan3A_31 = arith.constant 0 : i32
      %scan3A_32 = arith.constant 0 : i32
      %scan3A_33 = arith.constant 80 : i32
      %scan3A_34 = arith.addi %scan3A_32, %scan3A_33 : i32
      %scan3A_35 = arith.constant 1 : i32
      %scan3A_36 = scf.for %scan3A_55 = %scan3A_32 to %scan3A_34 step %scan3A_35 iter_args(%scan3A_56 = %scan3A_31) -> (i32)  : i32 {
        %swap3A = arith.index_cast %scan3A_55 : i32 to index
        %swap3A_57 = arith.constant 0 : index
        %swap3A_58 = tpu.vector_load %arg7[%swap3A, %swap3A_57] {strides = array<i32>} : memref<80x128xf32, #tpu.memory_space<vmem>>, vector<1x16xf32>,
        %swap3A_59 = vector.shape_cast %swap3A_58 : vector<1x16xf32> to vector<16xf32>
        %swap3A_60 = vector.shape_cast %broadcast_in_dim3A_3 : vector<16xf32> to vector<1x16xf32>
        tpu.vector_store %arg7[%swap3A, %swap3A_57], %swap3A_60 {strides = array<i32>} : memref<80x128xf32, #tpu.memory_space<vmem>>, vector<1x16xf32>,
        %swap3A_61 = arith.index_cast %scan3A_55 : i32 to index
        %swap3A_62 = arith.constant 16 : index
        %swap3A_63 = tpu.vector_load %arg7[%swap3A_61, %swap3A_62] {strides = array<i32>} : memref<80x128xf32, #tpu.memory_space<vmem>>, vector<1x16xf32>,
        %swap3A_64 = vector.shape_cast %swap3A_63 : vector<1x16xf32> to vector<16xf32>
        %swap3A_65 = vector.shape_cast %broadcast_in_dim3A_3 : vector<16xf32> to vector<1x16xf32>
        tpu.vector_store %arg7[%swap3A_61, %swap3A_62], %swap3A_65 {strides = array<i32>} : memref<80x128xf32, #tpu.memory_space<vmem>>, vector<1x16xf32>,
        %swap3A_66 = arith.index_cast %scan3A_55 : i32 to index
        %swap3A_67 = arith.constant 32 : index
        %swap3A_68 = tpu.vector_load %arg7[%swap3A_66, %swap3A_67] {strides = array<i32>} : memref<80x128xf32, #tpu.memory_space<vmem>>, vector<1x16xf32>,
        %swap3A_69 = vector.shape_cast %swap3A_68 : vector<1x16xf32> to vector<16xf32>
        %swap3A_70 = vector.shape_cast %broadcast_in_dim3A_3 : vector<16xf32> to vector<1x16xf32>
        tpu.vector_store %arg7[%swap3A_66, %swap3A_67], %swap3A_70 {strides = array<i32>} : memref<80x128xf32, #tpu.memory_space<vmem>>, vector<1x16xf32>,
        %swap3A_71 = arith.index_cast %scan3A_55 : i32 to index
        %swap3A_72 = arith.constant 48 : index
        %swap3A_73 = tpu.vector_load %arg7[%swap3A_71, %swap3A_72] {strides = array<i32>} : memref<80x128xf32, #tpu.memory_space<vmem>>, vector<1x16xf32>,
        %swap3A_74 = vector.shape_cast %swap3A_73 : vector<1x16xf32> to vector<16xf32>
        %swap3A_75 = vector.shape_cast %broadcast_in_dim3A_3 : vector<16xf32> to vector<1x16xf32>
        tpu.vector_store %arg7[%swap3A_71, %swap3A_72], %swap3A_75 {strides = array<i32>} : memref<80x128xf32, #tpu.memory_space<vmem>>, vector<1x16xf32>,
        %swap3A_76 = arith.index_cast %scan3A_55 : i32 to index
        %swap3A_77 = arith.constant 64 : index
        %swap3A_78 = tpu.vector_load %arg7[%swap3A_76, %swap3A_77] {strides = array<i32>} : memref<80x128xf32, #tpu.memory_space<vmem>>, vector<1x16xf32>,
        %swap3A_79 = vector.shape_cast %swap3A_78 : vector<1x16xf32> to vector<16xf32>
        %swap3A_80 = vector.shape_cast %broadcast_in_dim3A_3 : vector<16xf32> to vector<1x16xf32>
        tpu.vector_store %arg7[%swap3A_76, %swap3A_77], %swap3A_80 {strides = array<i32>} : memref<80x128xf32, #tpu.memory_space<vmem>>, vector<1x16xf32>,
        %swap3A_81 = arith.index_cast %scan3A_55 : i32 to index
        %swap3A_82 = arith.constant 80 : index
        %swap3A_83 = tpu.vector_load %arg7[%swap3A_81, %swap3A_82] {strides = array<i32>} : memref<80x128xf32, #tpu.memory_space<vmem>>, vector<1x16xf32>,
        %swap3A_84 = vector.shape_cast %swap3A_83 : vector<1x16xf32> to vector<16xf32>
        %swap3A_85 = vector.shape_cast %broadcast_in_dim3A_3 : vector<16xf32> to vector<1x16xf32>
        tpu.vector_store %arg7[%swap3A_81, %swap3A_82], %swap3A_85 {strides = array<i32>} : memref<80x128xf32, #tpu.memory_space<vmem>>, vector<1x16xf32>,
        %swap3A_86 = arith.index_cast %scan3A_55 : i32 to index
        %swap3A_87 = arith.constant 96 : index
        %swap3A_88 = tpu.vector_load %arg7[%swap3A_86, %swap3A_87] {strides = array<i32>} : memref<80x128xf32, #tpu.memory_space<vmem>>, vector<1x16xf32>,
        %swap3A_89 = vector.shape_cast %swap3A_88 : vector<1x16xf32> to vector<16xf32>
        %swap3A_90 = vector.shape_cast %broadcast_in_dim3A_3 : vector<16xf32> to vector<1x16xf32>
        tpu.vector_store %arg7[%swap3A_86, %swap3A_87], %swap3A_90 {strides = array<i32>} : memref<80x128xf32, #tpu.memory_space<vmem>>, vector<1x16xf32>,
        %swap3A_91 = arith.index_cast %scan3A_55 : i32 to index
        %swap3A_92 = arith.constant 112 : index
        %swap3A_93 = tpu.vector_load %arg7[%swap3A_91, %swap3A_92] {strides = array<i32>} : memref<80x128xf32, #tpu.memory_space<vmem>>, vector<1x16xf32>,
        %swap3A_94 = vector.shape_cast %swap3A_93 : vector<1x16xf32> to vector<16xf32>
        %swap3A_95 = vector.shape_cast %broadcast_in_dim3A_3 : vector<16xf32> to vector<1x16xf32>
        tpu.vector_store %arg7[%swap3A_91, %swap3A_92], %swap3A_95 {strides = array<i32>} : memref<80x128xf32, #tpu.memory_space<vmem>>, vector<1x16xf32>,
        %scan3A_96 = arith.constant 0 : i32
        scf.yield %scan3A_96 : i32
      }
      %scan3A_37 = arith.constant 80 : i32
      %add3A_38 = arith.constant 0 : i32
      %add3A_39 = arith.addi %mul3A_2, %add3A_38 : i32
      "tpu.region"() ({
        %run_scoped3A_55 = tpu.sem_alloc : memref<!tpu.dma_semaphore, #tpu.memory_space<semaphore_mem>>
        %dma_start3A_56 = arith.constant 0 : i32
        %dma_start3A_57 = tpu.memref_slice %arg9[%add3A_39, %dma_start3A_56] : memref<10000x128xf32, #tpu.memory_space<vmem_shared>> -> memref<80x128xf32, #tpu.memory_space<vmem_shared>>
        %dma_start3A_58 = arith.constant 0 : i32
        %dma_start3A_59 = tpu.memref_slice %arg9[%add3A_39, %dma_start3A_58] : memref<10000x128xf32, #tpu.memory_space<vmem_shared>> -> memref<80x128xf32, #tpu.memory_space<vmem_shared>>
        tpu.enqueue_dma source(%arg7 : memref<80x128xf32, #tpu.memory_space<vmem>>) target(%dma_start3A_59 : memref<80x128xf32, #tpu.memory_space<vmem_shared>>) target_semaphore(%run_scoped3A_55 : memref<!tpu.dma_semaphore, #tpu.memory_space<semaphore_mem>>)
        %dma_wait3A_60 = arith.constant 0 : i32
        %dma_wait3A_61 = tpu.memref_slice %arg9[%add3A_39, %dma_wait3A_60] : memref<10000x128xf32, #tpu.memory_space<vmem_shared>> -> memref<80x128xf32, #tpu.memory_space<vmem_shared>>
        %dma_wait3A_62 = arith.constant 0 : i32
        %dma_wait3A_63 = tpu.memref_slice %arg9[%add3A_39, %dma_wait3A_62] : memref<10000x128xf32, #tpu.memory_space<vmem_shared>> -> memref<80x128xf32, #tpu.memory_space<vmem_shared>>
        tpu.wait_dma2 semaphore(%run_scoped3A_55 : memref<!tpu.dma_semaphore, #tpu.memory_space<semaphore_mem>>) src(%arg7 : memref<80x128xf32, #tpu.memory_space<vmem>>) dst(%dma_wait3A_63 : memref<80x128xf32, #tpu.memory_space<vmem_shared>>)
        tpu.yield
      }) : () -> ()
      %add3A_40 = arith.constant 80 : i32
      %add3A_41 = arith.addi %mul3A_2, %add3A_40 : i32
      "tpu.region"() ({
        %run_scoped3A_55 = tpu.sem_alloc : memref<!tpu.dma_semaphore, #tpu.memory_space<semaphore_mem>>
        %dma_start3A_56 = arith.constant 0 : i32
        %dma_start3A_57 = tpu.memref_slice %arg9[%add3A_41, %dma_start3A_56] : memref<10000x128xf32, #tpu.memory_space<vmem_shared>> -> memref<80x128xf32, #tpu.memory_space<vmem_shared>>
        %dma_start3A_58 = arith.constant 0 : i32
        %dma_start3A_59 = tpu.memref_slice %arg9[%add3A_41, %dma_start3A_58] : memref<10000x128xf32, #tpu.memory_space<vmem_shared>> -> memref<80x128xf32, #tpu.memory_space<vmem_shared>>
        tpu.enqueue_dma source(%arg7 : memref<80x128xf32, #tpu.memory_space<vmem>>) target(%dma_start3A_59 : memref<80x128xf32, #tpu.memory_space<vmem_shared>>) target_semaphore(%run_scoped3A_55 : memref<!tpu.dma_semaphore, #tpu.memory_space<semaphore_mem>>)
        %dma_wait3A_60 = arith.constant 0 : i32
        %dma_wait3A_61 = tpu.memref_slice %arg9[%add3A_41, %dma_wait3A_60] : memref<10000x128xf32, #tpu.memory_space<vmem_shared>> -> memref<80x128xf32, #tpu.memory_space<vmem_shared>>
        %dma_wait3A_62 = arith.constant 0 : i32
        %dma_wait3A_63 = tpu.memref_slice %arg9[%add3A_41, %dma_wait3A_62] : memref<10000x128xf32, #tpu.memory_space<vmem_shared>> -> memref<80x128xf32, #tpu.memory_space<vmem_shared>>
        tpu.wait_dma2 semaphore(%run_scoped3A_55 : memref<!tpu.dma_semaphore, #tpu.memory_space<semaphore_mem>>) src(%arg7 : memref<80x128xf32, #tpu.memory_space<vmem>>) dst(%dma_wait3A_63 : memref<80x128xf32, #tpu.memory_space<vmem_shared>>)
        tpu.yield
      }) : () -> ()
      %add3A_42 = arith.constant 160 : i32
      %add3A_43 = arith.addi %mul3A_2, %add3A_42 : i32
      "tpu.region"() ({
        %run_scoped3A_55 = tpu.sem_alloc : memref<!tpu.dma_semaphore, #tpu.memory_space<semaphore_mem>>
        %dma_start3A_56 = arith.constant 0 : i32
        %dma_start3A_57 = tpu.memref_slice %arg9[%add3A_43, %dma_start3A_56] : memref<10000x128xf32, #tpu.memory_space<vmem_shared>> -> memref<80x128xf32, #tpu.memory_space<vmem_shared>>
        %dma_start3A_58 = arith.constant 0 : i32
        %dma_start3A_59 = tpu.memref_slice %arg9[%add3A_43, %dma_start3A_58] : memref<10000x128xf32, #tpu.memory_space<vmem_shared>> -> memref<80x128xf32, #tpu.memory_space<vmem_shared>>
        tpu.enqueue_dma source(%arg7 : memref<80x128xf32, #tpu.memory_space<vmem>>) target(%dma_start3A_59 : memref<80x128xf32, #tpu.memory_space<vmem_shared>>) target_semaphore(%run_scoped3A_55 : memref<!tpu.dma_semaphore, #tpu.memory_space<semaphore_mem>>)
        %dma_wait3A_60 = arith.constant 0 : i32
        %dma_wait3A_61 = tpu.memref_slice %arg9[%add3A_43, %dma_wait3A_60] : memref<10000x128xf32, #tpu.memory_space<vmem_shared>> -> memref<80x128xf32, #tpu.memory_space<vmem_shared>>
        %dma_wait3A_62 = arith.constant 0 : i32
        %dma_wait3A_63 = tpu.memref_slice %arg9[%add3A_43, %dma_wait3A_62] : memref<10000x128xf32, #tpu.memory_space<vmem_shared>> -> memref<80x128xf32, #tpu.memory_space<vmem_shared>>
        tpu.wait_dma2 semaphore(%run_scoped3A_55 : memref<!tpu.dma_semaphore, #tpu.memory_space<semaphore_mem>>) src(%arg7 : memref<80x128xf32, #tpu.memory_space<vmem>>) dst(%dma_wait3A_63 : memref<80x128xf32, #tpu.memory_space<vmem_shared>>)
        tpu.yield
      }) : () -> ()
      %add3A_44 = arith.constant 240 : i32
      %add3A_45 = arith.addi %mul3A_2, %add3A_44 : i32
      "tpu.region"() ({
        %run_scoped3A_55 = tpu.sem_alloc : memref<!tpu.dma_semaphore, #tpu.memory_space<semaphore_mem>>
        %dma_start3A_56 = arith.constant 0 : i32
        %dma_start3A_57 = tpu.memref_slice %arg9[%add3A_45, %dma_start3A_56] : memref<10000x128xf32, #tpu.memory_space<vmem_shared>> -> memref<80x128xf32, #tpu.memory_space<vmem_shared>>
        %dma_start3A_58 = arith.constant 0 : i32
        %dma_start3A_59 = tpu.memref_slice %arg9[%add3A_45, %dma_start3A_58] : memref<10000x128xf32, #tpu.memory_space<vmem_shared>> -> memref<80x128xf32, #tpu.memory_space<vmem_shared>>
        tpu.enqueue_dma source(%arg7 : memref<80x128xf32, #tpu.memory_space<vmem>>) target(%dma_start3A_59 : memref<80x128xf32, #tpu.memory_space<vmem_shared>>) target_semaphore(%run_scoped3A_55 : memref<!tpu.dma_semaphore, #tpu.memory_space<semaphore_mem>>)
        %dma_wait3A_60 = arith.constant 0 : i32
        %dma_wait3A_61 = tpu.memref_slice %arg9[%add3A_45, %dma_wait3A_60] : memref<10000x128xf32, #tpu.memory_space<vmem_shared>> -> memref<80x128xf32, #tpu.memory_space<vmem_shared>>
        %dma_wait3A_62 = arith.constant 0 : i32
        %dma_wait3A_63 = tpu.memref_slice %arg9[%add3A_45, %dma_wait3A_62] : memref<10000x128xf32, #tpu.memory_space<vmem_shared>> -> memref<80x128xf32, #tpu.memory_space<vmem_shared>>
        tpu.wait_dma2 semaphore(%run_scoped3A_55 : memref<!tpu.dma_semaphore, #tpu.memory_space<semaphore_mem>>) src(%arg7 : memref<80x128xf32, #tpu.memory_space<vmem>>) dst(%dma_wait3A_63 : memref<80x128xf32, #tpu.memory_space<vmem_shared>>)
        tpu.yield
      }) : () -> ()
      %add3A_46 = arith.constant 320 : i32
      %add3A_47 = arith.addi %mul3A_2, %add3A_46 : i32
      "tpu.region"() ({
        %run_scoped3A_55 = tpu.sem_alloc : memref<!tpu.dma_semaphore, #tpu.memory_space<semaphore_mem>>
        %dma_start3A_56 = arith.constant 0 : i32
        %dma_start3A_57 = tpu.memref_slice %arg9[%add3A_47, %dma_start3A_56] : memref<10000x128xf32, #tpu.memory_space<vmem_shared>> -> memref<80x128xf32, #tpu.memory_space<vmem_shared>>
        %dma_start3A_58 = arith.constant 0 : i32
        %dma_start3A_59 = tpu.memref_slice %arg9[%add3A_47, %dma_start3A_58] : memref<10000x128xf32, #tpu.memory_space<vmem_shared>> -> memref<80x128xf32, #tpu.memory_space<vmem_shared>>
        tpu.enqueue_dma source(%arg7 : memref<80x128xf32, #tpu.memory_space<vmem>>) target(%dma_start3A_59 : memref<80x128xf32, #tpu.memory_space<vmem_shared>>) target_semaphore(%run_scoped3A_55 : memref<!tpu.dma_semaphore, #tpu.memory_space<semaphore_mem>>)
        %dma_wait3A_60 = arith.constant 0 : i32
        %dma_wait3A_61 = tpu.memref_slice %arg9[%add3A_47, %dma_wait3A_60] : memref<10000x128xf32, #tpu.memory_space<vmem_shared>> -> memref<80x128xf32, #tpu.memory_space<vmem_shared>>
        %dma_wait3A_62 = arith.constant 0 : i32
        %dma_wait3A_63 = tpu.memref_slice %arg9[%add3A_47, %dma_wait3A_62] : memref<10000x128xf32, #tpu.memory_space<vmem_shared>> -> memref<80x128xf32, #tpu.memory_space<vmem_shared>>
        tpu.wait_dma2 semaphore(%run_scoped3A_55 : memref<!tpu.dma_semaphore, #tpu.memory_space<semaphore_mem>>) src(%arg7 : memref<80x128xf32, #tpu.memory_space<vmem>>) dst(%dma_wait3A_63 : memref<80x128xf32, #tpu.memory_space<vmem_shared>>)
        tpu.yield
      }) : () -> ()
      %add3A_48 = arith.constant 400 : i32
      %add3A_49 = arith.addi %mul3A_2, %add3A_48 : i32
      "tpu.region"() ({
        %run_scoped3A_55 = tpu.sem_alloc : memref<!tpu.dma_semaphore, #tpu.memory_space<semaphore_mem>>
        %dma_start3A_56 = arith.constant 0 : i32
        %dma_start3A_57 = tpu.memref_slice %arg9[%add3A_49, %dma_start3A_56] : memref<10000x128xf32, #tpu.memory_space<vmem_shared>> -> memref<80x128xf32, #tpu.memory_space<vmem_shared>>
        %dma_start3A_58 = arith.constant 0 : i32
        %dma_start3A_59 = tpu.memref_slice %arg9[%add3A_49, %dma_start3A_58] : memref<10000x128xf32, #tpu.memory_space<vmem_shared>> -> memref<80x128xf32, #tpu.memory_space<vmem_shared>>
        tpu.enqueue_dma source(%arg7 : memref<80x128xf32, #tpu.memory_space<vmem>>) target(%dma_start3A_59 : memref<80x128xf32, #tpu.memory_space<vmem_shared>>) target_semaphore(%run_scoped3A_55 : memref<!tpu.dma_semaphore, #tpu.memory_space<semaphore_mem>>)
        %dma_wait3A_60 = arith.constant 0 : i32
        %dma_wait3A_61 = tpu.memref_slice %arg9[%add3A_49, %dma_wait3A_60] : memref<10000x128xf32, #tpu.memory_space<vmem_shared>> -> memref<80x128xf32, #tpu.memory_space<vmem_shared>>
        %dma_wait3A_62 = arith.constant 0 : i32
        %dma_wait3A_63 = tpu.memref_slice %arg9[%add3A_49, %dma_wait3A_62] : memref<10000x128xf32, #tpu.memory_space<vmem_shared>> -> memref<80x128xf32, #tpu.memory_space<vmem_shared>>
        tpu.wait_dma2 semaphore(%run_scoped3A_55 : memref<!tpu.dma_semaphore, #tpu.memory_space<semaphore_mem>>) src(%arg7 : memref<80x128xf32, #tpu.memory_space<vmem>>) dst(%dma_wait3A_63 : memref<80x128xf32, #tpu.memory_space<vmem_shared>>)
        tpu.yield
      }) : () -> ()
      %add3A_50 = arith.constant 480 : i32
      %add3A_51 = arith.addi %mul3A_2, %add3A_50 : i32
      "tpu.region"() ({
        %run_scoped3A_55 = tpu.sem_alloc : memref<!tpu.dma_semaphore, #tpu.memory_space<semaphore_mem>>
        %dma_start3A_56 = arith.constant 0 : i32
        %dma_start3A_57 = tpu.memref_slice %arg9[%add3A_51, %dma_start3A_56] : memref<10000x128xf32, #tpu.memory_space<vmem_shared>> -> memref<80x128xf32, #tpu.memory_space<vmem_shared>>
        %dma_start3A_58 = arith.constant 0 : i32
        %dma_start3A_59 = tpu.memref_slice %arg9[%add3A_51, %dma_start3A_58] : memref<10000x128xf32, #tpu.memory_space<vmem_shared>> -> memref<80x128xf32, #tpu.memory_space<vmem_shared>>
        tpu.enqueue_dma source(%arg7 : memref<80x128xf32, #tpu.memory_space<vmem>>) target(%dma_start3A_59 : memref<80x128xf32, #tpu.memory_space<vmem_shared>>) target_semaphore(%run_scoped3A_55 : memref<!tpu.dma_semaphore, #tpu.memory_space<semaphore_mem>>)
        %dma_wait3A_60 = arith.constant 0 : i32
        %dma_wait3A_61 = tpu.memref_slice %arg9[%add3A_51, %dma_wait3A_60] : memref<10000x128xf32, #tpu.memory_space<vmem_shared>> -> memref<80x128xf32, #tpu.memory_space<vmem_shared>>
        %dma_wait3A_62 = arith.constant 0 : i32
        %dma_wait3A_63 = tpu.memref_slice %arg9[%add3A_51, %dma_wait3A_62] : memref<10000x128xf32, #tpu.memory_space<vmem_shared>> -> memref<80x128xf32, #tpu.memory_space<vmem_shared>>
        tpu.wait_dma2 semaphore(%run_scoped3A_55 : memref<!tpu.dma_semaphore, #tpu.memory_space<semaphore_mem>>) src(%arg7 : memref<80x128xf32, #tpu.memory_space<vmem>>) dst(%dma_wait3A_63 : memref<80x128xf32, #tpu.memory_space<vmem_shared>>)
        tpu.yield
      }) : () -> ()
      %add3A_52 = arith.constant 625 : i32
      %add3A_53 = arith.addi %mul3A_2, %add3A_52 : i32
      %sub3A = arith.constant 65 : i32
      %sub3A_54 = arith.subi %add3A_53, %sub3A : i32
      "tpu.region"() ({
        %run_scoped3A_55 = tpu.sem_alloc : memref<!tpu.dma_semaphore, #tpu.memory_space<semaphore_mem>>
        %dma_start3A_56 = arith.constant 0 : i32
        %dma_start3A_57 = arith.constant 0 : i32
        %dma_start3A_58 = tpu.memref_slice %arg7[%dma_start3A_56, %dma_start3A_57] : memref<80x128xf32, #tpu.memory_space<vmem>> -> memref<65x128xf32, #tpu.memory_space<vmem>>
        %dma_start3A_59 = arith.constant 0 : i32
        %dma_start3A_60 = tpu.memref_slice %arg9[%sub3A_54, %dma_start3A_59] : memref<10000x128xf32, #tpu.memory_space<vmem_shared>> -> memref<65x128xf32, #tpu.memory_space<vmem_shared>>
        %dma_start3A_61 = arith.constant 0 : i32
        %dma_start3A_62 = tpu.memref_slice %arg9[%sub3A_54, %dma_start3A_61] : memref<10000x128xf32, #tpu.memory_space<vmem_shared>> -> memref<65x128xf32, #tpu.memory_space<vmem_shared>>
        %dma_start3A_63 = arith.constant 0 : i32
        %dma_start3A_64 = arith.constant 0 : i32
        %dma_start3A_65 = tpu.memref_slice %arg7[%dma_start3A_63, %dma_start3A_64] : memref<80x128xf32, #tpu.memory_space<vmem>> -> memref<65x128xf32, #tpu.memory_space<vmem>>
        tpu.enqueue_dma source(%dma_start3A_65 : memref<65x128xf32, #tpu.memory_space<vmem>>) target(%dma_start3A_62 : memref<65x128xf32, #tpu.memory_space<vmem_shared>>) target_semaphore(%run_scoped3A_55 : memref<!tpu.dma_semaphore, #tpu.memory_space<semaphore_mem>>)
        %dma_wait3A_66 = arith.constant 0 : i32
        %dma_wait3A_67 = arith.constant 0 : i32
        %dma_wait3A_68 = tpu.memref_slice %arg7[%dma_wait3A_66, %dma_wait3A_67] : memref<80x128xf32, #tpu.memory_space<vmem>> -> memref<65x128xf32, #tpu.memory_space<vmem>>
        %dma_wait3A_69 = arith.constant 0 : i32
        %dma_wait3A_70 = tpu.memref_slice %arg9[%sub3A_54, %dma_wait3A_69] : memref<10000x128xf32, #tpu.memory_space<vmem_shared>> -> memref<65x128xf32, #tpu.memory_space<vmem_shared>>
        %dma_wait3A_71 = arith.constant 0 : i32
        %dma_wait3A_72 = tpu.memref_slice %arg9[%sub3A_54, %dma_wait3A_71] : memref<10000x128xf32, #tpu.memory_space<vmem_shared>> -> memref<65x128xf32, #tpu.memory_space<vmem_shared>>
        %dma_wait3A_73 = arith.constant 0 : i32
        %dma_wait3A_74 = arith.constant 0 : i32
        %dma_wait3A_75 = tpu.memref_slice %arg7[%dma_wait3A_73, %dma_wait3A_74] : memref<80x128xf32, #tpu.memory_space<vmem>> -> memref<65x128xf32, #tpu.memory_space<vmem>>
        tpu.wait_dma2 semaphore(%run_scoped3A_55 : memref<!tpu.dma_semaphore, #tpu.memory_space<semaphore_mem>>) src(%dma_wait3A_75 : memref<65x128xf32, #tpu.memory_space<vmem>>) dst(%dma_wait3A_72 : memref<65x128xf32, #tpu.memory_space<vmem_shared>>)
        tpu.yield
      }) : () -> ()
    } else {
    }
    %barrier3A = arith.constant 0 : index
    tpu.barrier barrier_id(%barrier3A)
    %dma_start3A = arith.constant 0 : i32
    %dma_start3A_16 = tpu.memref_slice %arg5[%dma_start3A] : memref<10000xi32, #tpu.memory_space<vmem>> -> memref<80xi32, #tpu.memory_space<vmem>>
    %dma_start3A_17 = arith.constant 0 : i32
    %dma_start3A_18 = arith.constant 0 : i32
    %dma_start3A_19 = tpu.memref_slice %arg2[%dma_start3A_17, %dma_start3A_18] : memref<10000x128xf32, #tpu.memory_space<hbm>> -> memref<10000x128xf32, #tpu.memory_space<hbm>>
    tpu.enqueue_indirect_dma source(%dma_start3A_19 : memref<10000x128xf32, #tpu.memory_space<hbm>>) target(%arg7 : memref<80x128xf32, #tpu.memory_space<vmem>>) offsets(%dma_start3A_16 : memref<80xi32, #tpu.memory_space<vmem>>) semaphore(%arg10 : memref<!tpu.dma_semaphore, #tpu.memory_space<semaphore_mem>>)
    %scan3A = arith.constant 0 : i32
    %scan3A_20 = arith.constant 0 : i32
    %scan3A_21 = arith.constant 62 : i32
    %scan3A_22 = arith.addi %scan3A_20, %scan3A_21 : i32
    %scan3A_23 = arith.constant 1 : i32
    %scan3A_24 = scf.for %scan3A_31 = %scan3A_20 to %scan3A_22 step %scan3A_23 iter_args(%scan3A_32 = %scan3A) -> (i32)  : i32 {
      %mul3A_33 = arith.constant 2 : i32
      %mul3A_34 = arith.muli %mul3A_33, %scan3A_31 : i32
      %mul3A_35 = arith.constant 2 : i32
      %mul3A_36 = arith.muli %mul3A_35, %scan3A_31 : i32
      %add3A_37 = arith.constant 1 : i32
      %add3A_38 = arith.addi %mul3A_36, %add3A_37 : i32
      %mul3A_39 = arith.constant 80 : i32
      %mul3A_40 = arith.muli %mul3A_34, %mul3A_39 : i32
      %dma_wait3A_41 = tpu.memref_slice %arg5[%mul3A_40] : memref<10000xi32, #tpu.memory_space<vmem>> -> memref<80xi32, #tpu.memory_space<vmem>>
      %dma_wait3A_42 = arith.constant 0 : i32
      %dma_wait3A_43 = arith.constant 0 : i32
      %dma_wait3A_44 = tpu.memref_slice %arg2[%dma_wait3A_42, %dma_wait3A_43] : memref<10000x128xf32, #tpu.memory_space<hbm>> -> memref<10000x128xf32, #tpu.memory_space<hbm>>
      tpu.wait_indirect_dma semaphore(%arg10 : memref<!tpu.dma_semaphore, #tpu.memory_space<semaphore_mem>>) src(%dma_wait3A_44 : memref<10000x128xf32, #tpu.memory_space<hbm>>) dst(%arg7 : memref<80x128xf32, #tpu.memory_space<vmem>>)
      %mul3A_45 = arith.constant 80 : i32
      %mul3A_46 = arith.muli %add3A_38, %mul3A_45 : i32
      %dma_start3A_47 = tpu.memref_slice %arg5[%mul3A_46] : memref<10000xi32, #tpu.memory_space<vmem>> -> memref<80xi32, #tpu.memory_space<vmem>>
      %dma_start3A_48 = arith.constant 0 : i32
      %dma_start3A_49 = arith.constant 0 : i32
      %dma_start3A_50 = tpu.memref_slice %arg2[%dma_start3A_48, %dma_start3A_49] : memref<10000x128xf32, #tpu.memory_space<hbm>> -> memref<10000x128xf32, #tpu.memory_space<hbm>>
      tpu.enqueue_indirect_dma source(%dma_start3A_50 : memref<10000x128xf32, #tpu.memory_space<hbm>>) target(%arg8 : memref<80x128xf32, #tpu.memory_space<vmem>>) offsets(%dma_start3A_47 : memref<80xi32, #tpu.memory_space<vmem>>) semaphore(%arg11 : memref<!tpu.dma_semaphore, #tpu.memory_space<semaphore_mem>>)
      %mul3A_51 = arith.constant 80 : i32
      %mul3A_52 = arith.muli %mul3A_34, %mul3A_51 : i32
      "tpu.region"() ({
        %run_scoped3A_68 = tpu.sem_alloc : memref<!tpu.dma_semaphore, #tpu.memory_space<semaphore_mem>>
        %dma_start3A_69 = tpu.memref_slice %arg6[%mul3A_52] : memref<10000xi32, #tpu.memory_space<vmem>> -> memref<80xi32, #tpu.memory_space<vmem>>
        %dma_start3A_70 = arith.constant 0 : i32
        %dma_start3A_71 = arith.constant 0 : i32
        %dma_start3A_72 = tpu.memref_slice %arg9[%dma_start3A_70, %dma_start3A_71] : memref<10000x128xf32, #tpu.memory_space<vmem_shared>> -> memref<10000x128xf32, #tpu.memory_space<vmem_shared>>
        tpu.enqueue_indirect_dma source(%arg7 : memref<80x128xf32, #tpu.memory_space<vmem>>) target(%dma_start3A_72 : memref<10000x128xf32, #tpu.memory_space<vmem_shared>>) offsets(%dma_start3A_69 : memref<80xi32, #tpu.memory_space<vmem>>) semaphore(%run_scoped3A_68 : memref<!tpu.dma_semaphore, #tpu.memory_space<semaphore_mem>>) {add = true}
        %dma_wait3A_73 = tpu.memref_slice %arg6[%mul3A_52] : memref<10000xi32, #tpu.memory_space<vmem>> -> memref<80xi32, #tpu.memory_space<vmem>>
        %dma_wait3A_74 = arith.constant 0 : i32
        %dma_wait3A_75 = arith.constant 0 : i32
        %dma_wait3A_76 = tpu.memref_slice %arg9[%dma_wait3A_74, %dma_wait3A_75] : memref<10000x128xf32, #tpu.memory_space<vmem_shared>> -> memref<10000x128xf32, #tpu.memory_space<vmem_shared>>
        tpu.wait_indirect_dma semaphore(%run_scoped3A_68 : memref<!tpu.dma_semaphore, #tpu.memory_space<semaphore_mem>>) src(%arg7 : memref<80x128xf32, #tpu.memory_space<vmem>>) dst(%dma_wait3A_76 : memref<10000x128xf32, #tpu.memory_space<vmem_shared>>)
        tpu.yield
      }) : () -> ()
      %mul3A_53 = arith.constant 80 : i32
      %mul3A_54 = arith.muli %add3A_38, %mul3A_53 : i32
      %dma_wait3A_55 = tpu.memref_slice %arg5[%mul3A_54] : memref<10000xi32, #tpu.memory_space<vmem>> -> memref<80xi32, #tpu.memory_space<vmem>>
      %dma_wait3A_56 = arith.constant 0 : i32
      %dma_wait3A_57 = arith.constant 0 : i32
      %dma_wait3A_58 = tpu.memref_slice %arg2[%dma_wait3A_56, %dma_wait3A_57] : memref<10000x128xf32, #tpu.memory_space<hbm>> -> memref<10000x128xf32, #tpu.memory_space<hbm>>
      tpu.wait_indirect_dma semaphore(%arg11 : memref<!tpu.dma_semaphore, #tpu.memory_space<semaphore_mem>>) src(%dma_wait3A_58 : memref<10000x128xf32, #tpu.memory_space<hbm>>) dst(%arg8 : memref<80x128xf32, #tpu.memory_space<vmem>>)
      %add3A_59 = arith.constant 2 : i32
      %add3A_60 = arith.addi %mul3A_34, %add3A_59 : i32
      %lt3A = arith.constant 125 : i32
      %lt3A_61 = arith.cmpi slt, %add3A_60, %lt3A : i32
      %convert_element_type3A_62 = arith.extui %lt3A_61 : i1 to i32
      %cond3A_63 = arith.constant 0 : i32
      %cond3A_64 = arith.cmpi ne, %convert_element_type3A_62, %cond3A_63 : i32
      scf.if %cond3A_64 {
        %add3A_68 = arith.constant 2 : i32
        %add3A_69 = arith.addi %mul3A_34, %add3A_68 : i32
        %mul3A_70 = arith.constant 80 : i32
        %mul3A_71 = arith.muli %add3A_69, %mul3A_70 : i32
        %dma_start3A_72 = tpu.memref_slice %arg5[%mul3A_71] : memref<10000xi32, #tpu.memory_space<vmem>> -> memref<80xi32, #tpu.memory_space<vmem>>
        %dma_start3A_73 = arith.constant 0 : i32
        %dma_start3A_74 = arith.constant 0 : i32
        %dma_start3A_75 = tpu.memref_slice %arg2[%dma_start3A_73, %dma_start3A_74] : memref<10000x128xf32, #tpu.memory_space<hbm>> -> memref<10000x128xf32, #tpu.memory_space<hbm>>
        tpu.enqueue_indirect_dma source(%dma_start3A_75 : memref<10000x128xf32, #tpu.memory_space<hbm>>) target(%arg7 : memref<80x128xf32, #tpu.memory_space<vmem>>) offsets(%dma_start3A_72 : memref<80xi32, #tpu.memory_space<vmem>>) semaphore(%arg10 : memref<!tpu.dma_semaphore, #tpu.memory_space<semaphore_mem>>)
      } else {
      }
      %mul3A_65 = arith.constant 80 : i32
      %mul3A_66 = arith.muli %add3A_38, %mul3A_65 : i32
      "tpu.region"() ({
        %run_scoped3A_68 = tpu.sem_alloc : memref<!tpu.dma_semaphore, #tpu.memory_space<semaphore_mem>>
        %dma_start3A_69 = tpu.memref_slice %arg6[%mul3A_66] : memref<10000xi32, #tpu.memory_space<vmem>> -> memref<80xi32, #tpu.memory_space<vmem>>
        %dma_start3A_70 = arith.constant 0 : i32
        %dma_start3A_71 = arith.constant 0 : i32
        %dma_start3A_72 = tpu.memref_slice %arg9[%dma_start3A_70, %dma_start3A_71] : memref<10000x128xf32, #tpu.memory_space<vmem_shared>> -> memref<10000x128xf32, #tpu.memory_space<vmem_shared>>
        tpu.enqueue_indirect_dma source(%arg8 : memref<80x128xf32, #tpu.memory_space<vmem>>) target(%dma_start3A_72 : memref<10000x128xf32, #tpu.memory_space<vmem_shared>>) offsets(%dma_start3A_69 : memref<80xi32, #tpu.memory_space<vmem>>) semaphore(%run_scoped3A_68 : memref<!tpu.dma_semaphore, #tpu.memory_space<semaphore_mem>>) {add = true}
        %dma_wait3A_73 = tpu.memref_slice %arg6[%mul3A_66] : memref<10000xi32, #tpu.memory_space<vmem>> -> memref<80xi32, #tpu.memory_space<vmem>>
        %dma_wait3A_74 = arith.constant 0 : i32
        %dma_wait3A_75 = arith.constant 0 : i32
        %dma_wait3A_76 = tpu.memref_slice %arg9[%dma_wait3A_74, %dma_wait3A_75] : memref<10000x128xf32, #tpu.memory_space<vmem_shared>> -> memref<10000x128xf32, #tpu.memory_space<vmem_shared>>
        tpu.wait_indirect_dma semaphore(%run_scoped3A_68 : memref<!tpu.dma_semaphore, #tpu.memory_space<semaphore_mem>>) src(%arg8 : memref<80x128xf32, #tpu.memory_space<vmem>>) dst(%dma_wait3A_76 : memref<10000x128xf32, #tpu.memory_space<vmem_shared>>)
        tpu.yield
      }) : () -> ()
      %scan3A_67 = arith.constant 0 : i32
      scf.yield %scan3A_67 : i32
    }
    %scan3A_25 = arith.constant 62 : i32
    %dma_wait3A = arith.constant 9920 : i32
    %dma_wait3A_26 = tpu.memref_slice %arg5[%dma_wait3A] : memref<10000xi32, #tpu.memory_space<vmem>> -> memref<80xi32, #tpu.memory_space<vmem>>
    %dma_wait3A_27 = arith.constant 0 : i32
    %dma_wait3A_28 = arith.constant 0 : i32
    %dma_wait3A_29 = tpu.memref_slice %arg2[%dma_wait3A_27, %dma_wait3A_28] : memref<10000x128xf32, #tpu.memory_space<hbm>> -> memref<10000x128xf32, #tpu.memory_space<hbm>>
    tpu.wait_indirect_dma semaphore(%arg10 : memref<!tpu.dma_semaphore, #tpu.memory_space<semaphore_mem>>) src(%dma_wait3A_29 : memref<10000x128xf32, #tpu.memory_space<hbm>>) dst(%arg7 : memref<80x128xf32, #tpu.memory_space<vmem>>)
    "tpu.region"() ({
      %run_scoped3A_31 = tpu.sem_alloc : memref<!tpu.dma_semaphore, #tpu.memory_space<semaphore_mem>>
      %dma_start3A_32 = arith.constant 9920 : i32
      %dma_start3A_33 = tpu.memref_slice %arg6[%dma_start3A_32] : memref<10000xi32, #tpu.memory_space<vmem>> -> memref<80xi32, #tpu.memory_space<vmem>>
      %dma_start3A_34 = arith.constant 0 : i32
      %dma_start3A_35 = arith.constant 0 : i32
      %dma_start3A_36 = tpu.memref_slice %arg9[%dma_start3A_34, %dma_start3A_35] : memref<10000x128xf32, #tpu.memory_space<vmem_shared>> -> memref<10000x128xf32, #tpu.memory_space<vmem_shared>>
      tpu.enqueue_indirect_dma source(%arg7 : memref<80x128xf32, #tpu.memory_space<vmem>>) target(%dma_start3A_36 : memref<10000x128xf32, #tpu.memory_space<vmem_shared>>) offsets(%dma_start3A_33 : memref<80xi32, #tpu.memory_space<vmem>>) semaphore(%run_scoped3A_31 : memref<!tpu.dma_semaphore, #tpu.memory_space<semaphore_mem>>) {add = true}
      %dma_wait3A_37 = arith.constant 9920 : i32
      %dma_wait3A_38 = tpu.memref_slice %arg6[%dma_wait3A_37] : memref<10000xi32, #tpu.memory_space<vmem>> -> memref<80xi32, #tpu.memory_space<vmem>>
      %dma_wait3A_39 = arith.constant 0 : i32
      %dma_wait3A_40 = arith.constant 0 : i32
      %dma_wait3A_41 = tpu.memref_slice %arg9[%dma_wait3A_39, %dma_wait3A_40] : memref<10000x128xf32, #tpu.memory_space<vmem_shared>> -> memref<10000x128xf32, #tpu.memory_space<vmem_shared>>
      tpu.wait_indirect_dma semaphore(%run_scoped3A_31 : memref<!tpu.dma_semaphore, #tpu.memory_space<semaphore_mem>>) src(%arg7 : memref<80x128xf32, #tpu.memory_space<vmem>>) dst(%dma_wait3A_41 : memref<10000x128xf32, #tpu.memory_space<vmem_shared>>)
      tpu.yield
    }) : () -> ()
    %barrier3A_30 = arith.constant 0 : index
    tpu.barrier barrier_id(%barrier3A_30)
    "tpu.region"() ({
      %run_scoped3A_31 = tpu.sem_alloc : memref<!tpu.dma_semaphore, #tpu.memory_space<semaphore_mem>>
      %dma_start3A_32 = arith.constant 0 : i32
      %dma_start3A_33 = tpu.memref_slice %arg4[%arg0, %mul3A_2, %dma_start3A_32] : memref<2x10000x128xf32, #tpu.memory_space<hbm>> -> memref<1x625x128xf32, #tpu.memory_space<hbm>>
      %dma_start3A_34 = tpu.memref_squeeze %dma_start3A_33 : memref<1x625x128xf32, #tpu.memory_space<hbm>> -> memref<625x128xf32, #tpu.memory_space<hbm>>
      %dma_start3A_35 = arith.constant 0 : i32
      %dma_start3A_36 = tpu.memref_slice %arg9[%mul3A_2, %dma_start3A_35] : memref<10000x128xf32, #tpu.memory_space<vmem_shared>> -> memref<625x128xf32, #tpu.memory_space<vmem_shared>>
      tpu.enqueue_dma source(%dma_start3A_36 : memref<625x128xf32, #tpu.memory_space<vmem_shared>>) target(%dma_start3A_34 : memref<625x128xf32, #tpu.memory_space<hbm>>) target_semaphore(%run_scoped3A_31 : memref<!tpu.dma_semaphore, #tpu.memory_space<semaphore_mem>>)
      %dma_wait3A_37 = arith.constant 0 : i32
      %dma_wait3A_38 = tpu.memref_slice %arg4[%arg0, %mul3A_2, %dma_wait3A_37] : memref<2x10000x128xf32, #tpu.memory_space<hbm>> -> memref<1x625x128xf32, #tpu.memory_space<hbm>>
      %dma_wait3A_39 = tpu.memref_squeeze %dma_wait3A_38 : memref<1x625x128xf32, #tpu.memory_space<hbm>> -> memref<625x128xf32, #tpu.memory_space<hbm>>
      %dma_wait3A_40 = arith.constant 0 : i32
      %dma_wait3A_41 = tpu.memref_slice %arg9[%mul3A_2, %dma_wait3A_40] : memref<10000x128xf32, #tpu.memory_space<vmem_shared>> -> memref<625x128xf32, #tpu.memory_space<vmem_shared>>
      tpu.wait_dma2 semaphore(%run_scoped3A_31 : memref<!tpu.dma_semaphore, #tpu.memory_space<semaphore_mem>>) src(%dma_wait3A_41 : memref<625x128xf32, #tpu.memory_space<vmem_shared>>) dst(%dma_wait3A_39 : memref<625x128xf32, #tpu.memory_space<hbm>>)
      tpu.yield
    }) : () -> ()
    return
  }
}

#map = affine_map<(d0, d1) -> (0, 0)>
#map1 = affine_map<(d0, d1) -> (0, 0, 0)>
module attributes {stable_mosaic.version = 14 : i64} {
  func.func @_deg_body(%arg0: i32, %arg1: i32, %arg2: memref<2x320000xi32, #tpu.memory_space<hbm>>, %arg3: memref<2x10000x16xf32, #tpu.memory_space<hbm>>, %arg4: memref<10000xi32, #tpu.memory_space<vmem>>, %arg5: memref<1000x16xf32, #tpu.memory_space<vmem>>, %arg6: memref<80x16xf32, #tpu.memory_space<vmem>>, %arg7: memref<10000x16xf32, #tpu.memory_space<vmem_shared>>) attributes {dimension_semantics = [#tpu.dimension_semantics<core_parallel>, #tpu.dimension_semantics<subcore_parallel>], iteration_bounds = array<i64: 2, 16>, scalar_prefetch = 0 : i64, scratch_operands = 4 : i64, tpu.core_type = #tpu.core_type<sc_vector_subcore>, window_params = [{transform_indices = #map}, {transform_indices = #map1}]} {
    %mul3A = arith.constant 16 : i32
    %mul3A_0 = arith.muli %arg0, %mul3A : i32
    %add3A = arith.addi %mul3A_0, %arg1 : i32
    %mul3A_1 = arith.constant 625 : i32
    %mul3A_2 = arith.muli %arg1, %mul3A_1 : i32
    %broadcast_in_dim3A = arith.constant 0.000000e+00 : f32
    %broadcast_in_dim3A_3 = vector.broadcast %broadcast_in_dim3A : f32 to vector<16xf32>
    %broadcast_in_dim3A_4 = arith.constant 1.000000e+00 : f32
    %broadcast_in_dim3A_5 = vector.broadcast %broadcast_in_dim3A_4 : f32 to vector<16xf32>
    %mul3A_6 = arith.constant 10000 : i32
    %mul3A_7 = arith.muli %add3A, %mul3A_6 : i32
    %run_scoped3A = arith.constant 1 : i32
    "tpu.region"() ({
      %run_scoped3A_82 = tpu.sem_alloc : memref<!tpu.dma_semaphore, #tpu.memory_space<semaphore_mem>>
      %dma_start3A = tpu.memref_slice %arg2[%run_scoped3A, %mul3A_7] : memref<2x320000xi32, #tpu.memory_space<hbm>> -> memref<1x10000xi32, #tpu.memory_space<hbm>>
      %dma_start3A_83 = tpu.memref_squeeze %dma_start3A : memref<1x10000xi32, #tpu.memory_space<hbm>> -> memref<10000xi32, #tpu.memory_space<hbm>>
      %dma_start3A_84 = tpu.memref_slice %arg2[%run_scoped3A, %mul3A_7] : memref<2x320000xi32, #tpu.memory_space<hbm>> -> memref<1x10000xi32, #tpu.memory_space<hbm>>
      %dma_start3A_85 = tpu.memref_squeeze %dma_start3A_84 : memref<1x10000xi32, #tpu.memory_space<hbm>> -> memref<10000xi32, #tpu.memory_space<hbm>>
      tpu.enqueue_dma source(%dma_start3A_85 : memref<10000xi32, #tpu.memory_space<hbm>>) target(%arg4 : memref<10000xi32, #tpu.memory_space<vmem>>) target_semaphore(%run_scoped3A_82 : memref<!tpu.dma_semaphore, #tpu.memory_space<semaphore_mem>>)
      %dma_wait3A = tpu.memref_slice %arg2[%run_scoped3A, %mul3A_7] : memref<2x320000xi32, #tpu.memory_space<hbm>> -> memref<1x10000xi32, #tpu.memory_space<hbm>>
      %dma_wait3A_86 = tpu.memref_squeeze %dma_wait3A : memref<1x10000xi32, #tpu.memory_space<hbm>> -> memref<10000xi32, #tpu.memory_space<hbm>>
      %dma_wait3A_87 = tpu.memref_slice %arg2[%run_scoped3A, %mul3A_7] : memref<2x320000xi32, #tpu.memory_space<hbm>> -> memref<1x10000xi32, #tpu.memory_space<hbm>>
      %dma_wait3A_88 = tpu.memref_squeeze %dma_wait3A_87 : memref<1x10000xi32, #tpu.memory_space<hbm>> -> memref<10000xi32, #tpu.memory_space<hbm>>
      tpu.wait_dma2 semaphore(%run_scoped3A_82 : memref<!tpu.dma_semaphore, #tpu.memory_space<semaphore_mem>>) src(%dma_wait3A_88 : memref<10000xi32, #tpu.memory_space<hbm>>) dst(%arg4 : memref<10000xi32, #tpu.memory_space<vmem>>)
      tpu.yield
    }) : () -> ()
    %scan3A = arith.constant 0 : i32
    %scan3A_8 = arith.constant 0 : i32
    %scan3A_9 = arith.constant 1000 : i32
    %scan3A_10 = arith.addi %scan3A_8, %scan3A_9 : i32
    %scan3A_11 = arith.constant 1 : i32
    %scan3A_12 = scf.for %scan3A_82 = %scan3A_8 to %scan3A_10 step %scan3A_11 iter_args(%scan3A_83 = %scan3A) -> (i32)  : i32 {
      %swap3A = arith.index_cast %scan3A_82 : i32 to index
      %swap3A_84 = arith.constant 0 : index
      %swap3A_85 = tpu.vector_load %arg6[%swap3A, %swap3A_84] {strides = array<i32>} : memref<80x16xf32, #tpu.memory_space<vmem>>, vector<1x16xf32>,
      %swap3A_86 = vector.shape_cast %swap3A_85 : vector<1x16xf32> to vector<16xf32>
      %swap3A_87 = vector.shape_cast %broadcast_in_dim3A_3 : vector<16xf32> to vector<1x16xf32>
      tpu.vector_store %arg6[%swap3A, %swap3A_84], %swap3A_87 {strides = array<i32>} : memref<80x16xf32, #tpu.memory_space<vmem>>, vector<1x16xf32>,
      %scan3A_88 = arith.constant 0 : i32
      scf.yield %scan3A_88 : i32
    }
    %scan3A_13 = arith.constant 1000 : i32
    %add3A_14 = arith.constant 0 : i32
    %add3A_15 = arith.addi %mul3A_2, %add3A_14 : i32
    "tpu.region"() ({
      %run_scoped3A_82 = tpu.sem_alloc : memref<!tpu.dma_semaphore, #tpu.memory_space<semaphore_mem>>
      %dma_start3A = arith.constant 0 : i32
      %dma_start3A_83 = tpu.memref_slice %arg7[%add3A_15, %dma_start3A] : memref<10000x16xf32, #tpu.memory_space<vmem_shared>> -> memref<80x16xf32, #tpu.memory_space<vmem_shared>>
      %dma_start3A_84 = arith.constant 0 : i32
      %dma_start3A_85 = tpu.memref_slice %arg7[%add3A_15, %dma_start3A_84] : memref<10000x16xf32, #tpu.memory_space<vmem_shared>> -> memref<80x16xf32, #tpu.memory_space<vmem_shared>>
      tpu.enqueue_dma source(%arg6 : memref<80x16xf32, #tpu.memory_space<vmem>>) target(%dma_start3A_85 : memref<80x16xf32, #tpu.memory_space<vmem_shared>>) target_semaphore(%run_scoped3A_82 : memref<!tpu.dma_semaphore, #tpu.memory_space<semaphore_mem>>)
      %dma_wait3A = arith.constant 0 : i32
      %dma_wait3A_86 = tpu.memref_slice %arg7[%add3A_15, %dma_wait3A] : memref<10000x16xf32, #tpu.memory_space<vmem_shared>> -> memref<80x16xf32, #tpu.memory_space<vmem_shared>>
      %dma_wait3A_87 = arith.constant 0 : i32
      %dma_wait3A_88 = tpu.memref_slice %arg7[%add3A_15, %dma_wait3A_87] : memref<10000x16xf32, #tpu.memory_space<vmem_shared>> -> memref<80x16xf32, #tpu.memory_space<vmem_shared>>
      tpu.wait_dma2 semaphore(%run_scoped3A_82 : memref<!tpu.dma_semaphore, #tpu.memory_space<semaphore_mem>>) src(%arg6 : memref<80x16xf32, #tpu.memory_space<vmem>>) dst(%dma_wait3A_88 : memref<80x16xf32, #tpu.memory_space<vmem_shared>>)
      tpu.yield
    }) : () -> ()
    %add3A_16 = arith.constant 80 : i32
    %add3A_17 = arith.addi %mul3A_2, %add3A_16 : i32
    "tpu.region"() ({
      %run_scoped3A_82 = tpu.sem_alloc : memref<!tpu.dma_semaphore, #tpu.memory_space<semaphore_mem>>
      %dma_start3A = arith.constant 0 : i32
      %dma_start3A_83 = tpu.memref_slice %arg7[%add3A_17, %dma_start3A] : memref<10000x16xf32, #tpu.memory_space<vmem_shared>> -> memref<80x16xf32, #tpu.memory_space<vmem_shared>>
      %dma_start3A_84 = arith.constant 0 : i32
      %dma_start3A_85 = tpu.memref_slice %arg7[%add3A_17, %dma_start3A_84] : memref<10000x16xf32, #tpu.memory_space<vmem_shared>> -> memref<80x16xf32, #tpu.memory_space<vmem_shared>>
      tpu.enqueue_dma source(%arg6 : memref<80x16xf32, #tpu.memory_space<vmem>>) target(%dma_start3A_85 : memref<80x16xf32, #tpu.memory_space<vmem_shared>>) target_semaphore(%run_scoped3A_82 : memref<!tpu.dma_semaphore, #tpu.memory_space<semaphore_mem>>)
      %dma_wait3A = arith.constant 0 : i32
      %dma_wait3A_86 = tpu.memref_slice %arg7[%add3A_17, %dma_wait3A] : memref<10000x16xf32, #tpu.memory_space<vmem_shared>> -> memref<80x16xf32, #tpu.memory_space<vmem_shared>>
      %dma_wait3A_87 = arith.constant 0 : i32
      %dma_wait3A_88 = tpu.memref_slice %arg7[%add3A_17, %dma_wait3A_87] : memref<10000x16xf32, #tpu.memory_space<vmem_shared>> -> memref<80x16xf32, #tpu.memory_space<vmem_shared>>
      tpu.wait_dma2 semaphore(%run_scoped3A_82 : memref<!tpu.dma_semaphore, #tpu.memory_space<semaphore_mem>>) src(%arg6 : memref<80x16xf32, #tpu.memory_space<vmem>>) dst(%dma_wait3A_88 : memref<80x16xf32, #tpu.memory_space<vmem_shared>>)
      tpu.yield
    }) : () -> ()
    %add3A_18 = arith.constant 160 : i32
    %add3A_19 = arith.addi %mul3A_2, %add3A_18 : i32
    "tpu.region"() ({
      %run_scoped3A_82 = tpu.sem_alloc : memref<!tpu.dma_semaphore, #tpu.memory_space<semaphore_mem>>
      %dma_start3A = arith.constant 0 : i32
      %dma_start3A_83 = tpu.memref_slice %arg7[%add3A_19, %dma_start3A] : memref<10000x16xf32, #tpu.memory_space<vmem_shared>> -> memref<80x16xf32, #tpu.memory_space<vmem_shared>>
      %dma_start3A_84 = arith.constant 0 : i32
      %dma_start3A_85 = tpu.memref_slice %arg7[%add3A_19, %dma_start3A_84] : memref<10000x16xf32, #tpu.memory_space<vmem_shared>> -> memref<80x16xf32, #tpu.memory_space<vmem_shared>>
      tpu.enqueue_dma source(%arg6 : memref<80x16xf32, #tpu.memory_space<vmem>>) target(%dma_start3A_85 : memref<80x16xf32, #tpu.memory_space<vmem_shared>>) target_semaphore(%run_scoped3A_82 : memref<!tpu.dma_semaphore, #tpu.memory_space<semaphore_mem>>)
      %dma_wait3A = arith.constant 0 : i32
      %dma_wait3A_86 = tpu.memref_slice %arg7[%add3A_19, %dma_wait3A] : memref<10000x16xf32, #tpu.memory_space<vmem_shared>> -> memref<80x16xf32, #tpu.memory_space<vmem_shared>>
      %dma_wait3A_87 = arith.constant 0 : i32
      %dma_wait3A_88 = tpu.memref_slice %arg7[%add3A_19, %dma_wait3A_87] : memref<10000x16xf32, #tpu.memory_space<vmem_shared>> -> memref<80x16xf32, #tpu.memory_space<vmem_shared>>
      tpu.wait_dma2 semaphore(%run_scoped3A_82 : memref<!tpu.dma_semaphore, #tpu.memory_space<semaphore_mem>>) src(%arg6 : memref<80x16xf32, #tpu.memory_space<vmem>>) dst(%dma_wait3A_88 : memref<80x16xf32, #tpu.memory_space<vmem_shared>>)
      tpu.yield
    }) : () -> ()
    %add3A_20 = arith.constant 240 : i32
    %add3A_21 = arith.addi %mul3A_2, %add3A_20 : i32
    "tpu.region"() ({
      %run_scoped3A_82 = tpu.sem_alloc : memref<!tpu.dma_semaphore, #tpu.memory_space<semaphore_mem>>
      %dma_start3A = arith.constant 0 : i32
      %dma_start3A_83 = tpu.memref_slice %arg7[%add3A_21, %dma_start3A] : memref<10000x16xf32, #tpu.memory_space<vmem_shared>> -> memref<80x16xf32, #tpu.memory_space<vmem_shared>>
      %dma_start3A_84 = arith.constant 0 : i32
      %dma_start3A_85 = tpu.memref_slice %arg7[%add3A_21, %dma_start3A_84] : memref<10000x16xf32, #tpu.memory_space<vmem_shared>> -> memref<80x16xf32, #tpu.memory_space<vmem_shared>>
      tpu.enqueue_dma source(%arg6 : memref<80x16xf32, #tpu.memory_space<vmem>>) target(%dma_start3A_85 : memref<80x16xf32, #tpu.memory_space<vmem_shared>>) target_semaphore(%run_scoped3A_82 : memref<!tpu.dma_semaphore, #tpu.memory_space<semaphore_mem>>)
      %dma_wait3A = arith.constant 0 : i32
      %dma_wait3A_86 = tpu.memref_slice %arg7[%add3A_21, %dma_wait3A] : memref<10000x16xf32, #tpu.memory_space<vmem_shared>> -> memref<80x16xf32, #tpu.memory_space<vmem_shared>>
      %dma_wait3A_87 = arith.constant 0 : i32
      %dma_wait3A_88 = tpu.memref_slice %arg7[%add3A_21, %dma_wait3A_87] : memref<10000x16xf32, #tpu.memory_space<vmem_shared>> -> memref<80x16xf32, #tpu.memory_space<vmem_shared>>
      tpu.wait_dma2 semaphore(%run_scoped3A_82 : memref<!tpu.dma_semaphore, #tpu.memory_space<semaphore_mem>>) src(%arg6 : memref<80x16xf32, #tpu.memory_space<vmem>>) dst(%dma_wait3A_88 : memref<80x16xf32, #tpu.memory_space<vmem_shared>>)
      tpu.yield
    }) : () -> ()
    %add3A_22 = arith.constant 320 : i32
    %add3A_23 = arith.addi %mul3A_2, %add3A_22 : i32
    "tpu.region"() ({
      %run_scoped3A_82 = tpu.sem_alloc : memref<!tpu.dma_semaphore, #tpu.memory_space<semaphore_mem>>
      %dma_start3A = arith.constant 0 : i32
      %dma_start3A_83 = tpu.memref_slice %arg7[%add3A_23, %dma_start3A] : memref<10000x16xf32, #tpu.memory_space<vmem_shared>> -> memref<80x16xf32, #tpu.memory_space<vmem_shared>>
      %dma_start3A_84 = arith.constant 0 : i32
      %dma_start3A_85 = tpu.memref_slice %arg7[%add3A_23, %dma_start3A_84] : memref<10000x16xf32, #tpu.memory_space<vmem_shared>> -> memref<80x16xf32, #tpu.memory_space<vmem_shared>>
      tpu.enqueue_dma source(%arg6 : memref<80x16xf32, #tpu.memory_space<vmem>>) target(%dma_start3A_85 : memref<80x16xf32, #tpu.memory_space<vmem_shared>>) target_semaphore(%run_scoped3A_82 : memref<!tpu.dma_semaphore, #tpu.memory_space<semaphore_mem>>)
      %dma_wait3A = arith.constant 0 : i32
      %dma_wait3A_86 = tpu.memref_slice %arg7[%add3A_23, %dma_wait3A] : memref<10000x16xf32, #tpu.memory_space<vmem_shared>> -> memref<80x16xf32, #tpu.memory_space<vmem_shared>>
      %dma_wait3A_87 = arith.constant 0 : i32
      %dma_wait3A_88 = tpu.memref_slice %arg7[%add3A_23, %dma_wait3A_87] : memref<10000x16xf32, #tpu.memory_space<vmem_shared>> -> memref<80x16xf32, #tpu.memory_space<vmem_shared>>
      tpu.wait_dma2 semaphore(%run_scoped3A_82 : memref<!tpu.dma_semaphore, #tpu.memory_space<semaphore_mem>>) src(%arg6 : memref<80x16xf32, #tpu.memory_space<vmem>>) dst(%dma_wait3A_88 : memref<80x16xf32, #tpu.memory_space<vmem_shared>>)
      tpu.yield
    }) : () -> ()
    %add3A_24 = arith.constant 400 : i32
    %add3A_25 = arith.addi %mul3A_2, %add3A_24 : i32
    "tpu.region"() ({
      %run_scoped3A_82 = tpu.sem_alloc : memref<!tpu.dma_semaphore, #tpu.memory_space<semaphore_mem>>
      %dma_start3A = arith.constant 0 : i32
      %dma_start3A_83 = tpu.memref_slice %arg7[%add3A_25, %dma_start3A] : memref<10000x16xf32, #tpu.memory_space<vmem_shared>> -> memref<80x16xf32, #tpu.memory_space<vmem_shared>>
      %dma_start3A_84 = arith.constant 0 : i32
      %dma_start3A_85 = tpu.memref_slice %arg7[%add3A_25, %dma_start3A_84] : memref<10000x16xf32, #tpu.memory_space<vmem_shared>> -> memref<80x16xf32, #tpu.memory_space<vmem_shared>>
      tpu.enqueue_dma source(%arg6 : memref<80x16xf32, #tpu.memory_space<vmem>>) target(%dma_start3A_85 : memref<80x16xf32, #tpu.memory_space<vmem_shared>>) target_semaphore(%run_scoped3A_82 : memref<!tpu.dma_semaphore, #tpu.memory_space<semaphore_mem>>)
      %dma_wait3A = arith.constant 0 : i32
      %dma_wait3A_86 = tpu.memref_slice %arg7[%add3A_25, %dma_wait3A] : memref<10000x16xf32, #tpu.memory_space<vmem_shared>> -> memref<80x16xf32, #tpu.memory_space<vmem_shared>>
      %dma_wait3A_87 = arith.constant 0 : i32
      %dma_wait3A_88 = tpu.memref_slice %arg7[%add3A_25, %dma_wait3A_87] : memref<10000x16xf32, #tpu.memory_space<vmem_shared>> -> memref<80x16xf32, #tpu.memory_space<vmem_shared>>
      tpu.wait_dma2 semaphore(%run_scoped3A_82 : memref<!tpu.dma_semaphore, #tpu.memory_space<semaphore_mem>>) src(%arg6 : memref<80x16xf32, #tpu.memory_space<vmem>>) dst(%dma_wait3A_88 : memref<80x16xf32, #tpu.memory_space<vmem_shared>>)
      tpu.yield
    }) : () -> ()
    %add3A_26 = arith.constant 480 : i32
    %add3A_27 = arith.addi %mul3A_2, %add3A_26 : i32
    "tpu.region"() ({
      %run_scoped3A_82 = tpu.sem_alloc : memref<!tpu.dma_semaphore, #tpu.memory_space<semaphore_mem>>
      %dma_start3A = arith.constant 0 : i32
      %dma_start3A_83 = tpu.memref_slice %arg7[%add3A_27, %dma_start3A] : memref<10000x16xf32, #tpu.memory_space<vmem_shared>> -> memref<80x16xf32, #tpu.memory_space<vmem_shared>>
      %dma_start3A_84 = arith.constant 0 : i32
      %dma_start3A_85 = tpu.memref_slice %arg7[%add3A_27, %dma_start3A_84] : memref<10000x16xf32, #tpu.memory_space<vmem_shared>> -> memref<80x16xf32, #tpu.memory_space<vmem_shared>>
      tpu.enqueue_dma source(%arg6 : memref<80x16xf32, #tpu.memory_space<vmem>>) target(%dma_start3A_85 : memref<80x16xf32, #tpu.memory_space<vmem_shared>>) target_semaphore(%run_scoped3A_82 : memref<!tpu.dma_semaphore, #tpu.memory_space<semaphore_mem>>)
      %dma_wait3A = arith.constant 0 : i32
      %dma_wait3A_86 = tpu.memref_slice %arg7[%add3A_27, %dma_wait3A] : memref<10000x16xf32, #tpu.memory_space<vmem_shared>> -> memref<80x16xf32, #tpu.memory_space<vmem_shared>>
      %dma_wait3A_87 = arith.constant 0 : i32
      %dma_wait3A_88 = tpu.memref_slice %arg7[%add3A_27, %dma_wait3A_87] : memref<10000x16xf32, #tpu.memory_space<vmem_shared>> -> memref<80x16xf32, #tpu.memory_space<vmem_shared>>
      tpu.wait_dma2 semaphore(%run_scoped3A_82 : memref<!tpu.dma_semaphore, #tpu.memory_space<semaphore_mem>>) src(%arg6 : memref<80x16xf32, #tpu.memory_space<vmem>>) dst(%dma_wait3A_88 : memref<80x16xf32, #tpu.memory_space<vmem_shared>>)
      tpu.yield
    }) : () -> ()
    %add3A_28 = arith.constant 625 : i32
    %add3A_29 = arith.addi %mul3A_2, %add3A_28 : i32
    %sub3A = arith.constant 65 : i32
    %sub3A_30 = arith.subi %add3A_29, %sub3A : i32
    "tpu.region"() ({
      %run_scoped3A_82 = tpu.sem_alloc : memref<!tpu.dma_semaphore, #tpu.memory_space<semaphore_mem>>
      %dma_start3A = arith.constant 0 : i32
      %dma_start3A_83 = arith.constant 0 : i32
      %dma_start3A_84 = tpu.memref_slice %arg6[%dma_start3A, %dma_start3A_83] : memref<80x16xf32, #tpu.memory_space<vmem>> -> memref<65x16xf32, #tpu.memory_space<vmem>>
      %dma_start3A_85 = arith.constant 0 : i32
      %dma_start3A_86 = tpu.memref_slice %arg7[%sub3A_30, %dma_start3A_85] : memref<10000x16xf32, #tpu.memory_space<vmem_shared>> -> memref<65x16xf32, #tpu.memory_space<vmem_shared>>
      %dma_start3A_87 = arith.constant 0 : i32
      %dma_start3A_88 = tpu.memref_slice %arg7[%sub3A_30, %dma_start3A_87] : memref<10000x16xf32, #tpu.memory_space<vmem_shared>> -> memref<65x16xf32, #tpu.memory_space<vmem_shared>>
      %dma_start3A_89 = arith.constant 0 : i32
      %dma_start3A_90 = arith.constant 0 : i32
      %dma_start3A_91 = tpu.memref_slice %arg6[%dma_start3A_89, %dma_start3A_90] : memref<80x16xf32, #tpu.memory_space<vmem>> -> memref<65x16xf32, #tpu.memory_space<vmem>>
      tpu.enqueue_dma source(%dma_start3A_91 : memref<65x16xf32, #tpu.memory_space<vmem>>) target(%dma_start3A_88 : memref<65x16xf32, #tpu.memory_space<vmem_shared>>) target_semaphore(%run_scoped3A_82 : memref<!tpu.dma_semaphore, #tpu.memory_space<semaphore_mem>>)
      %dma_wait3A = arith.constant 0 : i32
      %dma_wait3A_92 = arith.constant 0 : i32
      %dma_wait3A_93 = tpu.memref_slice %arg6[%dma_wait3A, %dma_wait3A_92] : memref<80x16xf32, #tpu.memory_space<vmem>> -> memref<65x16xf32, #tpu.memory_space<vmem>>
      %dma_wait3A_94 = arith.constant 0 : i32
      %dma_wait3A_95 = tpu.memref_slice %arg7[%sub3A_30, %dma_wait3A_94] : memref<10000x16xf32, #tpu.memory_space<vmem_shared>> -> memref<65x16xf32, #tpu.memory_space<vmem_shared>>
      %dma_wait3A_96 = arith.constant 0 : i32
      %dma_wait3A_97 = tpu.memref_slice %arg7[%sub3A_30, %dma_wait3A_96] : memref<10000x16xf32, #tpu.memory_space<vmem_shared>> -> memref<65x16xf32, #tpu.memory_space<vmem_shared>>
      %dma_wait3A_98 = arith.constant 0 : i32
      %dma_wait3A_99 = arith.constant 0 : i32
      %dma_wait3A_100 = tpu.memref_slice %arg6[%dma_wait3A_98, %dma_wait3A_99] : memref<80x16xf32, #tpu.memory_space<vmem>> -> memref<65x16xf32, #tpu.memory_space<vmem>>
      tpu.wait_dma2 semaphore(%run_scoped3A_82 : memref<!tpu.dma_semaphore, #tpu.memory_space<semaphore_mem>>) src(%dma_wait3A_100 : memref<65x16xf32, #tpu.memory_space<vmem>>) dst(%dma_wait3A_97 : memref<65x16xf32, #tpu.memory_space<vmem_shared>>)
      tpu.yield
    }) : () -> ()
    %scan3A_31 = arith.constant 0 : i32
    %scan3A_32 = arith.constant 0 : i32
    %scan3A_33 = arith.constant 1000 : i32
    %scan3A_34 = arith.addi %scan3A_32, %scan3A_33 : i32
    %scan3A_35 = arith.constant 1 : i32
    %scan3A_36 = scf.for %scan3A_82 = %scan3A_32 to %scan3A_34 step %scan3A_35 iter_args(%scan3A_83 = %scan3A_31) -> (i32)  : i32 {
      %swap3A = arith.index_cast %scan3A_82 : i32 to index
      %swap3A_84 = arith.constant 0 : index
      %swap3A_85 = tpu.vector_load %arg5[%swap3A, %swap3A_84] {strides = array<i32>} : memref<1000x16xf32, #tpu.memory_space<vmem>>, vector<1x16xf32>,
      %swap3A_86 = vector.shape_cast %swap3A_85 : vector<1x16xf32> to vector<16xf32>
      %swap3A_87 = vector.shape_cast %broadcast_in_dim3A_5 : vector<16xf32> to vector<1x16xf32>
      tpu.vector_store %arg5[%swap3A, %swap3A_84], %swap3A_87 {strides = array<i32>} : memref<1000x16xf32, #tpu.memory_space<vmem>>, vector<1x16xf32>,
      %scan3A_88 = arith.constant 0 : i32
      scf.yield %scan3A_88 : i32
    }
    %scan3A_37 = arith.constant 1000 : i32
    %barrier3A = arith.constant 0 : index
    tpu.barrier barrier_id(%barrier3A)
    %scan3A_38 = arith.constant 0 : i32
    %scan3A_39 = arith.constant 0 : i32
    %scan3A_40 = arith.constant 10 : i32
    %scan3A_41 = arith.addi %scan3A_39, %scan3A_40 : i32
    %scan3A_42 = arith.constant 1 : i32
    %scan3A_43 = scf.for %scan3A_82 = %scan3A_39 to %scan3A_41 step %scan3A_42 iter_args(%scan3A_83 = %scan3A_38) -> (i32)  : i32 {
      %mul3A_84 = arith.constant 1000 : i32
      %mul3A_85 = arith.muli %scan3A_82, %mul3A_84 : i32
      "tpu.region"() ({
        %run_scoped3A_87 = tpu.sem_alloc : memref<!tpu.dma_semaphore, #tpu.memory_space<semaphore_mem>>
        %dma_start3A = tpu.memref_slice %arg4[%mul3A_85] : memref<10000xi32, #tpu.memory_space<vmem>> -> memref<1000xi32, #tpu.memory_space<vmem>>
        %dma_start3A_88 = arith.constant 0 : i32
        %dma_start3A_89 = arith.constant 0 : i32
        %dma_start3A_90 = tpu.memref_slice %arg7[%dma_start3A_88, %dma_start3A_89] : memref<10000x16xf32, #tpu.memory_space<vmem_shared>> -> memref<10000x16xf32, #tpu.memory_space<vmem_shared>>
        tpu.enqueue_indirect_dma source(%arg5 : memref<1000x16xf32, #tpu.memory_space<vmem>>) target(%dma_start3A_90 : memref<10000x16xf32, #tpu.memory_space<vmem_shared>>) offsets(%dma_start3A : memref<1000xi32, #tpu.memory_space<vmem>>) semaphore(%run_scoped3A_87 : memref<!tpu.dma_semaphore, #tpu.memory_space<semaphore_mem>>) {add = true}
        %dma_wait3A = tpu.memref_slice %arg4[%mul3A_85] : memref<10000xi32, #tpu.memory_space<vmem>> -> memref<1000xi32, #tpu.memory_space<vmem>>
        %dma_wait3A_91 = arith.constant 0 : i32
        %dma_wait3A_92 = arith.constant 0 : i32
        %dma_wait3A_93 = tpu.memref_slice %arg7[%dma_wait3A_91, %dma_wait3A_92] : memref<10000x16xf32, #tpu.memory_space<vmem_shared>> -> memref<10000x16xf32, #tpu.memory_space<vmem_shared>>
        tpu.wait_indirect_dma semaphore(%run_scoped3A_87 : memref<!tpu.dma_semaphore, #tpu.memory_space<semaphore_mem>>) src(%arg5 : memref<1000x16xf32, #tpu.memory_space<vmem>>) dst(%dma_wait3A_93 : memref<10000x16xf32, #tpu.memory_space<vmem_shared>>)
        tpu.yield
      }) : () -> ()
      %scan3A_86 = arith.constant 0 : i32
      scf.yield %scan3A_86 : i32
    }
    %scan3A_44 = arith.constant 10 : i32
    %barrier3A_45 = arith.constant 0 : index
    tpu.barrier barrier_id(%barrier3A_45)
    %add3A_46 = arith.constant 0 : i32
    %add3A_47 = arith.addi %mul3A_2, %add3A_46 : i32
    "tpu.region"() ({
      %run_scoped3A_82 = tpu.sem_alloc : memref<!tpu.dma_semaphore, #tpu.memory_space<semaphore_mem>>
      %dma_start3A = arith.constant 0 : i32
      %dma_start3A_83 = tpu.memref_slice %arg7[%add3A_47, %dma_start3A] : memref<10000x16xf32, #tpu.memory_space<vmem_shared>> -> memref<80x16xf32, #tpu.memory_space<vmem_shared>>
      %dma_start3A_84 = arith.constant 0 : i32
      %dma_start3A_85 = tpu.memref_slice %arg7[%add3A_47, %dma_start3A_84] : memref<10000x16xf32, #tpu.memory_space<vmem_shared>> -> memref<80x16xf32, #tpu.memory_space<vmem_shared>>
      tpu.enqueue_dma source(%dma_start3A_85 : memref<80x16xf32, #tpu.memory_space<vmem_shared>>) target(%arg6 : memref<80x16xf32, #tpu.memory_space<vmem>>) target_semaphore(%run_scoped3A_82 : memref<!tpu.dma_semaphore, #tpu.memory_space<semaphore_mem>>)
      %dma_wait3A = arith.constant 0 : i32
      %dma_wait3A_86 = tpu.memref_slice %arg7[%add3A_47, %dma_wait3A] : memref<10000x16xf32, #tpu.memory_space<vmem_shared>> -> memref<80x16xf32, #tpu.memory_space<vmem_shared>>
      %dma_wait3A_87 = arith.constant 0 : i32
      %dma_wait3A_88 = tpu.memref_slice %arg7[%add3A_47, %dma_wait3A_87] : memref<10000x16xf32, #tpu.memory_space<vmem_shared>> -> memref<80x16xf32, #tpu.memory_space<vmem_shared>>
      tpu.wait_dma2 semaphore(%run_scoped3A_82 : memref<!tpu.dma_semaphore, #tpu.memory_space<semaphore_mem>>) src(%dma_wait3A_88 : memref<80x16xf32, #tpu.memory_space<vmem_shared>>) dst(%arg6 : memref<80x16xf32, #tpu.memory_space<vmem>>)
      tpu.yield
    }) : () -> ()
    %add3A_48 = arith.constant 0 : i32
    %add3A_49 = arith.addi %mul3A_2, %add3A_48 : i32
    "tpu.region"() ({
      %run_scoped3A_82 = tpu.sem_alloc : memref<!tpu.dma_semaphore, #tpu.memory_space<semaphore_mem>>
      %dma_start3A = arith.constant 0 : i32
      %dma_start3A_83 = tpu.memref_slice %arg3[%arg0, %add3A_49, %dma_start3A] : memref<2x10000x16xf32, #tpu.memory_space<hbm>> -> memref<1x80x16xf32, #tpu.memory_space<hbm>>
      %dma_start3A_84 = tpu.memref_squeeze %dma_start3A_83 : memref<1x80x16xf32, #tpu.memory_space<hbm>> -> memref<80x16xf32, #tpu.memory_space<hbm>>
      %dma_start3A_85 = arith.constant 0 : i32
      %dma_start3A_86 = tpu.memref_slice %arg3[%arg0, %add3A_49, %dma_start3A_85] : memref<2x10000x16xf32, #tpu.memory_space<hbm>> -> memref<1x80x16xf32, #tpu.memory_space<hbm>>
      %dma_start3A_87 = tpu.memref_squeeze %dma_start3A_86 : memref<1x80x16xf32, #tpu.memory_space<hbm>> -> memref<80x16xf32, #tpu.memory_space<hbm>>
      tpu.enqueue_dma source(%arg6 : memref<80x16xf32, #tpu.memory_space<vmem>>) target(%dma_start3A_87 : memref<80x16xf32, #tpu.memory_space<hbm>>) target_semaphore(%run_scoped3A_82 : memref<!tpu.dma_semaphore, #tpu.memory_space<semaphore_mem>>)
      %dma_wait3A = arith.constant 0 : i32
      %dma_wait3A_88 = tpu.memref_slice %arg3[%arg0, %add3A_49, %dma_wait3A] : memref<2x10000x16xf32, #tpu.memory_space<hbm>> -> memref<1x80x16xf32, #tpu.memory_space<hbm>>
      %dma_wait3A_89 = tpu.memref_squeeze %dma_wait3A_88 : memref<1x80x16xf32, #tpu.memory_space<hbm>> -> memref<80x16xf32, #tpu.memory_space<hbm>>
      %dma_wait3A_90 = arith.constant 0 : i32
      %dma_wait3A_91 = tpu.memref_slice %arg3[%arg0, %add3A_49, %dma_wait3A_90] : memref<2x10000x16xf32, #tpu.memory_space<hbm>> -> memref<1x80x16xf32, #tpu.memory_space<hbm>>
      %dma_wait3A_92 = tpu.memref_squeeze %dma_wait3A_91 : memref<1x80x16xf32, #tpu.memory_space<hbm>> -> memref<80x16xf32, #tpu.memory_space<hbm>>
      tpu.wait_dma2 semaphore(%run_scoped3A_82 : memref<!tpu.dma_semaphore, #tpu.memory_space<semaphore_mem>>) src(%arg6 : memref<80x16xf32, #tpu.memory_space<vmem>>) dst(%dma_wait3A_92 : memref<80x16xf32, #tpu.memory_space<hbm>>)
      tpu.yield
    }) : () -> ()
    %add3A_50 = arith.constant 80 : i32
    %add3A_51 = arith.addi %mul3A_2, %add3A_50 : i32
    "tpu.region"() ({
      %run_scoped3A_82 = tpu.sem_alloc : memref<!tpu.dma_semaphore, #tpu.memory_space<semaphore_mem>>
      %dma_start3A = arith.constant 0 : i32
      %dma_start3A_83 = tpu.memref_slice %arg7[%add3A_51, %dma_start3A] : memref<10000x16xf32, #tpu.memory_space<vmem_shared>> -> memref<80x16xf32, #tpu.memory_space<vmem_shared>>
      %dma_start3A_84 = arith.constant 0 : i32
      %dma_start3A_85 = tpu.memref_slice %arg7[%add3A_51, %dma_start3A_84] : memref<10000x16xf32, #tpu.memory_space<vmem_shared>> -> memref<80x16xf32, #tpu.memory_space<vmem_shared>>
      tpu.enqueue_dma source(%dma_start3A_85 : memref<80x16xf32, #tpu.memory_space<vmem_shared>>) target(%arg6 : memref<80x16xf32, #tpu.memory_space<vmem>>) target_semaphore(%run_scoped3A_82 : memref<!tpu.dma_semaphore, #tpu.memory_space<semaphore_mem>>)
      %dma_wait3A = arith.constant 0 : i32
      %dma_wait3A_86 = tpu.memref_slice %arg7[%add3A_51, %dma_wait3A] : memref<10000x16xf32, #tpu.memory_space<vmem_shared>> -> memref<80x16xf32, #tpu.memory_space<vmem_shared>>
      %dma_wait3A_87 = arith.constant 0 : i32
      %dma_wait3A_88 = tpu.memref_slice %arg7[%add3A_51, %dma_wait3A_87] : memref<10000x16xf32, #tpu.memory_space<vmem_shared>> -> memref<80x16xf32, #tpu.memory_space<vmem_shared>>
      tpu.wait_dma2 semaphore(%run_scoped3A_82 : memref<!tpu.dma_semaphore, #tpu.memory_space<semaphore_mem>>) src(%dma_wait3A_88 : memref<80x16xf32, #tpu.memory_space<vmem_shared>>) dst(%arg6 : memref<80x16xf32, #tpu.memory_space<vmem>>)
      tpu.yield
    }) : () -> ()
    %add3A_52 = arith.constant 80 : i32
    %add3A_53 = arith.addi %mul3A_2, %add3A_52 : i32
    "tpu.region"() ({
      %run_scoped3A_82 = tpu.sem_alloc : memref<!tpu.dma_semaphore, #tpu.memory_space<semaphore_mem>>
      %dma_start3A = arith.constant 0 : i32
      %dma_start3A_83 = tpu.memref_slice %arg3[%arg0, %add3A_53, %dma_start3A] : memref<2x10000x16xf32, #tpu.memory_space<hbm>> -> memref<1x80x16xf32, #tpu.memory_space<hbm>>
      %dma_start3A_84 = tpu.memref_squeeze %dma_start3A_83 : memref<1x80x16xf32, #tpu.memory_space<hbm>> -> memref<80x16xf32, #tpu.memory_space<hbm>>
      %dma_start3A_85 = arith.constant 0 : i32
      %dma_start3A_86 = tpu.memref_slice %arg3[%arg0, %add3A_53, %dma_start3A_85] : memref<2x10000x16xf32, #tpu.memory_space<hbm>> -> memref<1x80x16xf32, #tpu.memory_space<hbm>>
      %dma_start3A_87 = tpu.memref_squeeze %dma_start3A_86 : memref<1x80x16xf32, #tpu.memory_space<hbm>> -> memref<80x16xf32, #tpu.memory_space<hbm>>
      tpu.enqueue_dma source(%arg6 : memref<80x16xf32, #tpu.memory_space<vmem>>) target(%dma_start3A_87 : memref<80x16xf32, #tpu.memory_space<hbm>>) target_semaphore(%run_scoped3A_82 : memref<!tpu.dma_semaphore, #tpu.memory_space<semaphore_mem>>)
      %dma_wait3A = arith.constant 0 : i32
      %dma_wait3A_88 = tpu.memref_slice %arg3[%arg0, %add3A_53, %dma_wait3A] : memref<2x10000x16xf32, #tpu.memory_space<hbm>> -> memref<1x80x16xf32, #tpu.memory_space<hbm>>
      %dma_wait3A_89 = tpu.memref_squeeze %dma_wait3A_88 : memref<1x80x16xf32, #tpu.memory_space<hbm>> -> memref<80x16xf32, #tpu.memory_space<hbm>>
      %dma_wait3A_90 = arith.constant 0 : i32
      %dma_wait3A_91 = tpu.memref_slice %arg3[%arg0, %add3A_53, %dma_wait3A_90] : memref<2x10000x16xf32, #tpu.memory_space<hbm>> -> memref<1x80x16xf32, #tpu.memory_space<hbm>>
      %dma_wait3A_92 = tpu.memref_squeeze %dma_wait3A_91 : memref<1x80x16xf32, #tpu.memory_space<hbm>> -> memref<80x16xf32, #tpu.memory_space<hbm>>
      tpu.wait_dma2 semaphore(%run_scoped3A_82 : memref<!tpu.dma_semaphore, #tpu.memory_space<semaphore_mem>>) src(%arg6 : memref<80x16xf32, #tpu.memory_space<vmem>>) dst(%dma_wait3A_92 : memref<80x16xf32, #tpu.memory_space<hbm>>)
      tpu.yield
    }) : () -> ()
    %add3A_54 = arith.constant 160 : i32
    %add3A_55 = arith.addi %mul3A_2, %add3A_54 : i32
    "tpu.region"() ({
      %run_scoped3A_82 = tpu.sem_alloc : memref<!tpu.dma_semaphore, #tpu.memory_space<semaphore_mem>>
      %dma_start3A = arith.constant 0 : i32
      %dma_start3A_83 = tpu.memref_slice %arg7[%add3A_55, %dma_start3A] : memref<10000x16xf32, #tpu.memory_space<vmem_shared>> -> memref<80x16xf32, #tpu.memory_space<vmem_shared>>
      %dma_start3A_84 = arith.constant 0 : i32
      %dma_start3A_85 = tpu.memref_slice %arg7[%add3A_55, %dma_start3A_84] : memref<10000x16xf32, #tpu.memory_space<vmem_shared>> -> memref<80x16xf32, #tpu.memory_space<vmem_shared>>
      tpu.enqueue_dma source(%dma_start3A_85 : memref<80x16xf32, #tpu.memory_space<vmem_shared>>) target(%arg6 : memref<80x16xf32, #tpu.memory_space<vmem>>) target_semaphore(%run_scoped3A_82 : memref<!tpu.dma_semaphore, #tpu.memory_space<semaphore_mem>>)
      %dma_wait3A = arith.constant 0 : i32
      %dma_wait3A_86 = tpu.memref_slice %arg7[%add3A_55, %dma_wait3A] : memref<10000x16xf32, #tpu.memory_space<vmem_shared>> -> memref<80x16xf32, #tpu.memory_space<vmem_shared>>
      %dma_wait3A_87 = arith.constant 0 : i32
      %dma_wait3A_88 = tpu.memref_slice %arg7[%add3A_55, %dma_wait3A_87] : memref<10000x16xf32, #tpu.memory_space<vmem_shared>> -> memref<80x16xf32, #tpu.memory_space<vmem_shared>>
      tpu.wait_dma2 semaphore(%run_scoped3A_82 : memref<!tpu.dma_semaphore, #tpu.memory_space<semaphore_mem>>) src(%dma_wait3A_88 : memref<80x16xf32, #tpu.memory_space<vmem_shared>>) dst(%arg6 : memref<80x16xf32, #tpu.memory_space<vmem>>)
      tpu.yield
    }) : () -> ()
    %add3A_56 = arith.constant 160 : i32
    %add3A_57 = arith.addi %mul3A_2, %add3A_56 : i32
    "tpu.region"() ({
      %run_scoped3A_82 = tpu.sem_alloc : memref<!tpu.dma_semaphore, #tpu.memory_space<semaphore_mem>>
      %dma_start3A = arith.constant 0 : i32
      %dma_start3A_83 = tpu.memref_slice %arg3[%arg0, %add3A_57, %dma_start3A] : memref<2x10000x16xf32, #tpu.memory_space<hbm>> -> memref<1x80x16xf32, #tpu.memory_space<hbm>>
      %dma_start3A_84 = tpu.memref_squeeze %dma_start3A_83 : memref<1x80x16xf32, #tpu.memory_space<hbm>> -> memref<80x16xf32, #tpu.memory_space<hbm>>
      %dma_start3A_85 = arith.constant 0 : i32
      %dma_start3A_86 = tpu.memref_slice %arg3[%arg0, %add3A_57, %dma_start3A_85] : memref<2x10000x16xf32, #tpu.memory_space<hbm>> -> memref<1x80x16xf32, #tpu.memory_space<hbm>>
      %dma_start3A_87 = tpu.memref_squeeze %dma_start3A_86 : memref<1x80x16xf32, #tpu.memory_space<hbm>> -> memref<80x16xf32, #tpu.memory_space<hbm>>
      tpu.enqueue_dma source(%arg6 : memref<80x16xf32, #tpu.memory_space<vmem>>) target(%dma_start3A_87 : memref<80x16xf32, #tpu.memory_space<hbm>>) target_semaphore(%run_scoped3A_82 : memref<!tpu.dma_semaphore, #tpu.memory_space<semaphore_mem>>)
      %dma_wait3A = arith.constant 0 : i32
      %dma_wait3A_88 = tpu.memref_slice %arg3[%arg0, %add3A_57, %dma_wait3A] : memref<2x10000x16xf32, #tpu.memory_space<hbm>> -> memref<1x80x16xf32, #tpu.memory_space<hbm>>
      %dma_wait3A_89 = tpu.memref_squeeze %dma_wait3A_88 : memref<1x80x16xf32, #tpu.memory_space<hbm>> -> memref<80x16xf32, #tpu.memory_space<hbm>>
      %dma_wait3A_90 = arith.constant 0 : i32
      %dma_wait3A_91 = tpu.memref_slice %arg3[%arg0, %add3A_57, %dma_wait3A_90] : memref<2x10000x16xf32, #tpu.memory_space<hbm>> -> memref<1x80x16xf32, #tpu.memory_space<hbm>>
      %dma_wait3A_92 = tpu.memref_squeeze %dma_wait3A_91 : memref<1x80x16xf32, #tpu.memory_space<hbm>> -> memref<80x16xf32, #tpu.memory_space<hbm>>
      tpu.wait_dma2 semaphore(%run_scoped3A_82 : memref<!tpu.dma_semaphore, #tpu.memory_space<semaphore_mem>>) src(%arg6 : memref<80x16xf32, #tpu.memory_space<vmem>>) dst(%dma_wait3A_92 : memref<80x16xf32, #tpu.memory_space<hbm>>)
      tpu.yield
    }) : () -> ()
    %add3A_58 = arith.constant 240 : i32
    %add3A_59 = arith.addi %mul3A_2, %add3A_58 : i32
    "tpu.region"() ({
      %run_scoped3A_82 = tpu.sem_alloc : memref<!tpu.dma_semaphore, #tpu.memory_space<semaphore_mem>>
      %dma_start3A = arith.constant 0 : i32
      %dma_start3A_83 = tpu.memref_slice %arg7[%add3A_59, %dma_start3A] : memref<10000x16xf32, #tpu.memory_space<vmem_shared>> -> memref<80x16xf32, #tpu.memory_space<vmem_shared>>
      %dma_start3A_84 = arith.constant 0 : i32
      %dma_start3A_85 = tpu.memref_slice %arg7[%add3A_59, %dma_start3A_84] : memref<10000x16xf32, #tpu.memory_space<vmem_shared>> -> memref<80x16xf32, #tpu.memory_space<vmem_shared>>
      tpu.enqueue_dma source(%dma_start3A_85 : memref<80x16xf32, #tpu.memory_space<vmem_shared>>) target(%arg6 : memref<80x16xf32, #tpu.memory_space<vmem>>) target_semaphore(%run_scoped3A_82 : memref<!tpu.dma_semaphore, #tpu.memory_space<semaphore_mem>>)
      %dma_wait3A = arith.constant 0 : i32
      %dma_wait3A_86 = tpu.memref_slice %arg7[%add3A_59, %dma_wait3A] : memref<10000x16xf32, #tpu.memory_space<vmem_shared>> -> memref<80x16xf32, #tpu.memory_space<vmem_shared>>
      %dma_wait3A_87 = arith.constant 0 : i32
      %dma_wait3A_88 = tpu.memref_slice %arg7[%add3A_59, %dma_wait3A_87] : memref<10000x16xf32, #tpu.memory_space<vmem_shared>> -> memref<80x16xf32, #tpu.memory_space<vmem_shared>>
      tpu.wait_dma2 semaphore(%run_scoped3A_82 : memref<!tpu.dma_semaphore, #tpu.memory_space<semaphore_mem>>) src(%dma_wait3A_88 : memref<80x16xf32, #tpu.memory_space<vmem_shared>>) dst(%arg6 : memref<80x16xf32, #tpu.memory_space<vmem>>)
      tpu.yield
    }) : () -> ()
    %add3A_60 = arith.constant 240 : i32
    %add3A_61 = arith.addi %mul3A_2, %add3A_60 : i32
    "tpu.region"() ({
      %run_scoped3A_82 = tpu.sem_alloc : memref<!tpu.dma_semaphore, #tpu.memory_space<semaphore_mem>>
      %dma_start3A = arith.constant 0 : i32
      %dma_start3A_83 = tpu.memref_slice %arg3[%arg0, %add3A_61, %dma_start3A] : memref<2x10000x16xf32, #tpu.memory_space<hbm>> -> memref<1x80x16xf32, #tpu.memory_space<hbm>>
      %dma_start3A_84 = tpu.memref_squeeze %dma_start3A_83 : memref<1x80x16xf32, #tpu.memory_space<hbm>> -> memref<80x16xf32, #tpu.memory_space<hbm>>
      %dma_start3A_85 = arith.constant 0 : i32
      %dma_start3A_86 = tpu.memref_slice %arg3[%arg0, %add3A_61, %dma_start3A_85] : memref<2x10000x16xf32, #tpu.memory_space<hbm>> -> memref<1x80x16xf32, #tpu.memory_space<hbm>>
      %dma_start3A_87 = tpu.memref_squeeze %dma_start3A_86 : memref<1x80x16xf32, #tpu.memory_space<hbm>> -> memref<80x16xf32, #tpu.memory_space<hbm>>
      tpu.enqueue_dma source(%arg6 : memref<80x16xf32, #tpu.memory_space<vmem>>) target(%dma_start3A_87 : memref<80x16xf32, #tpu.memory_space<hbm>>) target_semaphore(%run_scoped3A_82 : memref<!tpu.dma_semaphore, #tpu.memory_space<semaphore_mem>>)
      %dma_wait3A = arith.constant 0 : i32
      %dma_wait3A_88 = tpu.memref_slice %arg3[%arg0, %add3A_61, %dma_wait3A] : memref<2x10000x16xf32, #tpu.memory_space<hbm>> -> memref<1x80x16xf32, #tpu.memory_space<hbm>>
      %dma_wait3A_89 = tpu.memref_squeeze %dma_wait3A_88 : memref<1x80x16xf32, #tpu.memory_space<hbm>> -> memref<80x16xf32, #tpu.memory_space<hbm>>
      %dma_wait3A_90 = arith.constant 0 : i32
      %dma_wait3A_91 = tpu.memref_slice %arg3[%arg0, %add3A_61, %dma_wait3A_90] : memref<2x10000x16xf32, #tpu.memory_space<hbm>> -> memref<1x80x16xf32, #tpu.memory_space<hbm>>
      %dma_wait3A_92 = tpu.memref_squeeze %dma_wait3A_91 : memref<1x80x16xf32, #tpu.memory_space<hbm>> -> memref<80x16xf32, #tpu.memory_space<hbm>>
      tpu.wait_dma2 semaphore(%run_scoped3A_82 : memref<!tpu.dma_semaphore, #tpu.memory_space<semaphore_mem>>) src(%arg6 : memref<80x16xf32, #tpu.memory_space<vmem>>) dst(%dma_wait3A_92 : memref<80x16xf32, #tpu.memory_space<hbm>>)
      tpu.yield
    }) : () -> ()
    %add3A_62 = arith.constant 320 : i32
    %add3A_63 = arith.addi %mul3A_2, %add3A_62 : i32
    "tpu.region"() ({
      %run_scoped3A_82 = tpu.sem_alloc : memref<!tpu.dma_semaphore, #tpu.memory_space<semaphore_mem>>
      %dma_start3A = arith.constant 0 : i32
      %dma_start3A_83 = tpu.memref_slice %arg7[%add3A_63, %dma_start3A] : memref<10000x16xf32, #tpu.memory_space<vmem_shared>> -> memref<80x16xf32, #tpu.memory_space<vmem_shared>>
      %dma_start3A_84 = arith.constant 0 : i32
      %dma_start3A_85 = tpu.memref_slice %arg7[%add3A_63, %dma_start3A_84] : memref<10000x16xf32, #tpu.memory_space<vmem_shared>> -> memref<80x16xf32, #tpu.memory_space<vmem_shared>>
      tpu.enqueue_dma source(%dma_start3A_85 : memref<80x16xf32, #tpu.memory_space<vmem_shared>>) target(%arg6 : memref<80x16xf32, #tpu.memory_space<vmem>>) target_semaphore(%run_scoped3A_82 : memref<!tpu.dma_semaphore, #tpu.memory_space<semaphore_mem>>)
      %dma_wait3A = arith.constant 0 : i32
      %dma_wait3A_86 = tpu.memref_slice %arg7[%add3A_63, %dma_wait3A] : memref<10000x16xf32, #tpu.memory_space<vmem_shared>> -> memref<80x16xf32, #tpu.memory_space<vmem_shared>>
      %dma_wait3A_87 = arith.constant 0 : i32
      %dma_wait3A_88 = tpu.memref_slice %arg7[%add3A_63, %dma_wait3A_87] : memref<10000x16xf32, #tpu.memory_space<vmem_shared>> -> memref<80x16xf32, #tpu.memory_space<vmem_shared>>
      tpu.wait_dma2 semaphore(%run_scoped3A_82 : memref<!tpu.dma_semaphore, #tpu.memory_space<semaphore_mem>>) src(%dma_wait3A_88 : memref<80x16xf32, #tpu.memory_space<vmem_shared>>) dst(%arg6 : memref<80x16xf32, #tpu.memory_space<vmem>>)
      tpu.yield
    }) : () -> ()
    %add3A_64 = arith.constant 320 : i32
    %add3A_65 = arith.addi %mul3A_2, %add3A_64 : i32
    "tpu.region"() ({
      %run_scoped3A_82 = tpu.sem_alloc : memref<!tpu.dma_semaphore, #tpu.memory_space<semaphore_mem>>
      %dma_start3A = arith.constant 0 : i32
      %dma_start3A_83 = tpu.memref_slice %arg3[%arg0, %add3A_65, %dma_start3A] : memref<2x10000x16xf32, #tpu.memory_space<hbm>> -> memref<1x80x16xf32, #tpu.memory_space<hbm>>
      %dma_start3A_84 = tpu.memref_squeeze %dma_start3A_83 : memref<1x80x16xf32, #tpu.memory_space<hbm>> -> memref<80x16xf32, #tpu.memory_space<hbm>>
      %dma_start3A_85 = arith.constant 0 : i32
      %dma_start3A_86 = tpu.memref_slice %arg3[%arg0, %add3A_65, %dma_start3A_85] : memref<2x10000x16xf32, #tpu.memory_space<hbm>> -> memref<1x80x16xf32, #tpu.memory_space<hbm>>
      %dma_start3A_87 = tpu.memref_squeeze %dma_start3A_86 : memref<1x80x16xf32, #tpu.memory_space<hbm>> -> memref<80x16xf32, #tpu.memory_space<hbm>>
      tpu.enqueue_dma source(%arg6 : memref<80x16xf32, #tpu.memory_space<vmem>>) target(%dma_start3A_87 : memref<80x16xf32, #tpu.memory_space<hbm>>) target_semaphore(%run_scoped3A_82 : memref<!tpu.dma_semaphore, #tpu.memory_space<semaphore_mem>>)
      %dma_wait3A = arith.constant 0 : i32
      %dma_wait3A_88 = tpu.memref_slice %arg3[%arg0, %add3A_65, %dma_wait3A] : memref<2x10000x16xf32, #tpu.memory_space<hbm>> -> memref<1x80x16xf32, #tpu.memory_space<hbm>>
      %dma_wait3A_89 = tpu.memref_squeeze %dma_wait3A_88 : memref<1x80x16xf32, #tpu.memory_space<hbm>> -> memref<80x16xf32, #tpu.memory_space<hbm>>
      %dma_wait3A_90 = arith.constant 0 : i32
      %dma_wait3A_91 = tpu.memref_slice %arg3[%arg0, %add3A_65, %dma_wait3A_90] : memref<2x10000x16xf32, #tpu.memory_space<hbm>> -> memref<1x80x16xf32, #tpu.memory_space<hbm>>
      %dma_wait3A_92 = tpu.memref_squeeze %dma_wait3A_91 : memref<1x80x16xf32, #tpu.memory_space<hbm>> -> memref<80x16xf32, #tpu.memory_space<hbm>>
      tpu.wait_dma2 semaphore(%run_scoped3A_82 : memref<!tpu.dma_semaphore, #tpu.memory_space<semaphore_mem>>) src(%arg6 : memref<80x16xf32, #tpu.memory_space<vmem>>) dst(%dma_wait3A_92 : memref<80x16xf32, #tpu.memory_space<hbm>>)
      tpu.yield
    }) : () -> ()
    %add3A_66 = arith.constant 400 : i32
    %add3A_67 = arith.addi %mul3A_2, %add3A_66 : i32
    "tpu.region"() ({
      %run_scoped3A_82 = tpu.sem_alloc : memref<!tpu.dma_semaphore, #tpu.memory_space<semaphore_mem>>
      %dma_start3A = arith.constant 0 : i32
      %dma_start3A_83 = tpu.memref_slice %arg7[%add3A_67, %dma_start3A] : memref<10000x16xf32, #tpu.memory_space<vmem_shared>> -> memref<80x16xf32, #tpu.memory_space<vmem_shared>>
      %dma_start3A_84 = arith.constant 0 : i32
      %dma_start3A_85 = tpu.memref_slice %arg7[%add3A_67, %dma_start3A_84] : memref<10000x16xf32, #tpu.memory_space<vmem_shared>> -> memref<80x16xf32, #tpu.memory_space<vmem_shared>>
      tpu.enqueue_dma source(%dma_start3A_85 : memref<80x16xf32, #tpu.memory_space<vmem_shared>>) target(%arg6 : memref<80x16xf32, #tpu.memory_space<vmem>>) target_semaphore(%run_scoped3A_82 : memref<!tpu.dma_semaphore, #tpu.memory_space<semaphore_mem>>)
      %dma_wait3A = arith.constant 0 : i32
      %dma_wait3A_86 = tpu.memref_slice %arg7[%add3A_67, %dma_wait3A] : memref<10000x16xf32, #tpu.memory_space<vmem_shared>> -> memref<80x16xf32, #tpu.memory_space<vmem_shared>>
      %dma_wait3A_87 = arith.constant 0 : i32
      %dma_wait3A_88 = tpu.memref_slice %arg7[%add3A_67, %dma_wait3A_87] : memref<10000x16xf32, #tpu.memory_space<vmem_shared>> -> memref<80x16xf32, #tpu.memory_space<vmem_shared>>
      tpu.wait_dma2 semaphore(%run_scoped3A_82 : memref<!tpu.dma_semaphore, #tpu.memory_space<semaphore_mem>>) src(%dma_wait3A_88 : memref<80x16xf32, #tpu.memory_space<vmem_shared>>) dst(%arg6 : memref<80x16xf32, #tpu.memory_space<vmem>>)
      tpu.yield
    }) : () -> ()
    %add3A_68 = arith.constant 400 : i32
    %add3A_69 = arith.addi %mul3A_2, %add3A_68 : i32
    "tpu.region"() ({
      %run_scoped3A_82 = tpu.sem_alloc : memref<!tpu.dma_semaphore, #tpu.memory_space<semaphore_mem>>
      %dma_start3A = arith.constant 0 : i32
      %dma_start3A_83 = tpu.memref_slice %arg3[%arg0, %add3A_69, %dma_start3A] : memref<2x10000x16xf32, #tpu.memory_space<hbm>> -> memref<1x80x16xf32, #tpu.memory_space<hbm>>
      %dma_start3A_84 = tpu.memref_squeeze %dma_start3A_83 : memref<1x80x16xf32, #tpu.memory_space<hbm>> -> memref<80x16xf32, #tpu.memory_space<hbm>>
      %dma_start3A_85 = arith.constant 0 : i32
      %dma_start3A_86 = tpu.memref_slice %arg3[%arg0, %add3A_69, %dma_start3A_85] : memref<2x10000x16xf32, #tpu.memory_space<hbm>> -> memref<1x80x16xf32, #tpu.memory_space<hbm>>
      %dma_start3A_87 = tpu.memref_squeeze %dma_start3A_86 : memref<1x80x16xf32, #tpu.memory_space<hbm>> -> memref<80x16xf32, #tpu.memory_space<hbm>>
      tpu.enqueue_dma source(%arg6 : memref<80x16xf32, #tpu.memory_space<vmem>>) target(%dma_start3A_87 : memref<80x16xf32, #tpu.memory_space<hbm>>) target_semaphore(%run_scoped3A_82 : memref<!tpu.dma_semaphore, #tpu.memory_space<semaphore_mem>>)
      %dma_wait3A = arith.constant 0 : i32
      %dma_wait3A_88 = tpu.memref_slice %arg3[%arg0, %add3A_69, %dma_wait3A] : memref<2x10000x16xf32, #tpu.memory_space<hbm>> -> memref<1x80x16xf32, #tpu.memory_space<hbm>>
      %dma_wait3A_89 = tpu.memref_squeeze %dma_wait3A_88 : memref<1x80x16xf32, #tpu.memory_space<hbm>> -> memref<80x16xf32, #tpu.memory_space<hbm>>
      %dma_wait3A_90 = arith.constant 0 : i32
      %dma_wait3A_91 = tpu.memref_slice %arg3[%arg0, %add3A_69, %dma_wait3A_90] : memref<2x10000x16xf32, #tpu.memory_space<hbm>> -> memref<1x80x16xf32, #tpu.memory_space<hbm>>
      %dma_wait3A_92 = tpu.memref_squeeze %dma_wait3A_91 : memref<1x80x16xf32, #tpu.memory_space<hbm>> -> memref<80x16xf32, #tpu.memory_space<hbm>>
      tpu.wait_dma2 semaphore(%run_scoped3A_82 : memref<!tpu.dma_semaphore, #tpu.memory_space<semaphore_mem>>) src(%arg6 : memref<80x16xf32, #tpu.memory_space<vmem>>) dst(%dma_wait3A_92 : memref<80x16xf32, #tpu.memory_space<hbm>>)
      tpu.yield
    }) : () -> ()
    %add3A_70 = arith.constant 480 : i32
    %add3A_71 = arith.addi %mul3A_2, %add3A_70 : i32
    "tpu.region"() ({
      %run_scoped3A_82 = tpu.sem_alloc : memref<!tpu.dma_semaphore, #tpu.memory_space<semaphore_mem>>
      %dma_start3A = arith.constant 0 : i32
      %dma_start3A_83 = tpu.memref_slice %arg7[%add3A_71, %dma_start3A] : memref<10000x16xf32, #tpu.memory_space<vmem_shared>> -> memref<80x16xf32, #tpu.memory_space<vmem_shared>>
      %dma_start3A_84 = arith.constant 0 : i32
      %dma_start3A_85 = tpu.memref_slice %arg7[%add3A_71, %dma_start3A_84] : memref<10000x16xf32, #tpu.memory_space<vmem_shared>> -> memref<80x16xf32, #tpu.memory_space<vmem_shared>>
      tpu.enqueue_dma source(%dma_start3A_85 : memref<80x16xf32, #tpu.memory_space<vmem_shared>>) target(%arg6 : memref<80x16xf32, #tpu.memory_space<vmem>>) target_semaphore(%run_scoped3A_82 : memref<!tpu.dma_semaphore, #tpu.memory_space<semaphore_mem>>)
      %dma_wait3A = arith.constant 0 : i32
      %dma_wait3A_86 = tpu.memref_slice %arg7[%add3A_71, %dma_wait3A] : memref<10000x16xf32, #tpu.memory_space<vmem_shared>> -> memref<80x16xf32, #tpu.memory_space<vmem_shared>>
      %dma_wait3A_87 = arith.constant 0 : i32
      %dma_wait3A_88 = tpu.memref_slice %arg7[%add3A_71, %dma_wait3A_87] : memref<10000x16xf32, #tpu.memory_space<vmem_shared>> -> memref<80x16xf32, #tpu.memory_space<vmem_shared>>
      tpu.wait_dma2 semaphore(%run_scoped3A_82 : memref<!tpu.dma_semaphore, #tpu.memory_space<semaphore_mem>>) src(%dma_wait3A_88 : memref<80x16xf32, #tpu.memory_space<vmem_shared>>) dst(%arg6 : memref<80x16xf32, #tpu.memory_space<vmem>>)
      tpu.yield
    }) : () -> ()
    %add3A_72 = arith.constant 480 : i32
    %add3A_73 = arith.addi %mul3A_2, %add3A_72 : i32
    "tpu.region"() ({
      %run_scoped3A_82 = tpu.sem_alloc : memref<!tpu.dma_semaphore, #tpu.memory_space<semaphore_mem>>
      %dma_start3A = arith.constant 0 : i32
      %dma_start3A_83 = tpu.memref_slice %arg3[%arg0, %add3A_73, %dma_start3A] : memref<2x10000x16xf32, #tpu.memory_space<hbm>> -> memref<1x80x16xf32, #tpu.memory_space<hbm>>
      %dma_start3A_84 = tpu.memref_squeeze %dma_start3A_83 : memref<1x80x16xf32, #tpu.memory_space<hbm>> -> memref<80x16xf32, #tpu.memory_space<hbm>>
      %dma_start3A_85 = arith.constant 0 : i32
      %dma_start3A_86 = tpu.memref_slice %arg3[%arg0, %add3A_73, %dma_start3A_85] : memref<2x10000x16xf32, #tpu.memory_space<hbm>> -> memref<1x80x16xf32, #tpu.memory_space<hbm>>
      %dma_start3A_87 = tpu.memref_squeeze %dma_start3A_86 : memref<1x80x16xf32, #tpu.memory_space<hbm>> -> memref<80x16xf32, #tpu.memory_space<hbm>>
      tpu.enqueue_dma source(%arg6 : memref<80x16xf32, #tpu.memory_space<vmem>>) target(%dma_start3A_87 : memref<80x16xf32, #tpu.memory_space<hbm>>) target_semaphore(%run_scoped3A_82 : memref<!tpu.dma_semaphore, #tpu.memory_space<semaphore_mem>>)
      %dma_wait3A = arith.constant 0 : i32
      %dma_wait3A_88 = tpu.memref_slice %arg3[%arg0, %add3A_73, %dma_wait3A] : memref<2x10000x16xf32, #tpu.memory_space<hbm>> -> memref<1x80x16xf32, #tpu.memory_space<hbm>>
      %dma_wait3A_89 = tpu.memref_squeeze %dma_wait3A_88 : memref<1x80x16xf32, #tpu.memory_space<hbm>> -> memref<80x16xf32, #tpu.memory_space<hbm>>
      %dma_wait3A_90 = arith.constant 0 : i32
      %dma_wait3A_91 = tpu.memref_slice %arg3[%arg0, %add3A_73, %dma_wait3A_90] : memref<2x10000x16xf32, #tpu.memory_space<hbm>> -> memref<1x80x16xf32, #tpu.memory_space<hbm>>
      %dma_wait3A_92 = tpu.memref_squeeze %dma_wait3A_91 : memref<1x80x16xf32, #tpu.memory_space<hbm>> -> memref<80x16xf32, #tpu.memory_space<hbm>>
      tpu.wait_dma2 semaphore(%run_scoped3A_82 : memref<!tpu.dma_semaphore, #tpu.memory_space<semaphore_mem>>) src(%arg6 : memref<80x16xf32, #tpu.memory_space<vmem>>) dst(%dma_wait3A_92 : memref<80x16xf32, #tpu.memory_space<hbm>>)
      tpu.yield
    }) : () -> ()
    %add3A_74 = arith.constant 625 : i32
    %add3A_75 = arith.addi %mul3A_2, %add3A_74 : i32
    %sub3A_76 = arith.constant 65 : i32
    %sub3A_77 = arith.subi %add3A_75, %sub3A_76 : i32
    "tpu.region"() ({
      %run_scoped3A_82 = tpu.sem_alloc : memref<!tpu.dma_semaphore, #tpu.memory_space<semaphore_mem>>
      %dma_start3A = arith.constant 0 : i32
      %dma_start3A_83 = arith.constant 0 : i32
      %dma_start3A_84 = tpu.memref_slice %arg6[%dma_start3A, %dma_start3A_83] : memref<80x16xf32, #tpu.memory_space<vmem>> -> memref<65x16xf32, #tpu.memory_space<vmem>>
      %dma_start3A_85 = arith.constant 0 : i32
      %dma_start3A_86 = tpu.memref_slice %arg7[%sub3A_77, %dma_start3A_85] : memref<10000x16xf32, #tpu.memory_space<vmem_shared>> -> memref<65x16xf32, #tpu.memory_space<vmem_shared>>
      %dma_start3A_87 = arith.constant 0 : i32
      %dma_start3A_88 = arith.constant 0 : i32
      %dma_start3A_89 = tpu.memref_slice %arg6[%dma_start3A_87, %dma_start3A_88] : memref<80x16xf32, #tpu.memory_space<vmem>> -> memref<65x16xf32, #tpu.memory_space<vmem>>
      %dma_start3A_90 = arith.constant 0 : i32
      %dma_start3A_91 = tpu.memref_slice %arg7[%sub3A_77, %dma_start3A_90] : memref<10000x16xf32, #tpu.memory_space<vmem_shared>> -> memref<65x16xf32, #tpu.memory_space<vmem_shared>>
      tpu.enqueue_dma source(%dma_start3A_91 : memref<65x16xf32, #tpu.memory_space<vmem_shared>>) target(%dma_start3A_89 : memref<65x16xf32, #tpu.memory_space<vmem>>) target_semaphore(%run_scoped3A_82 : memref<!tpu.dma_semaphore, #tpu.memory_space<semaphore_mem>>)
      %dma_wait3A = arith.constant 0 : i32
      %dma_wait3A_92 = arith.constant 0 : i32
      %dma_wait3A_93 = tpu.memref_slice %arg6[%dma_wait3A, %dma_wait3A_92] : memref<80x16xf32, #tpu.memory_space<vmem>> -> memref<65x16xf32, #tpu.memory_space<vmem>>
      %dma_wait3A_94 = arith.constant 0 : i32
      %dma_wait3A_95 = tpu.memref_slice %arg7[%sub3A_77, %dma_wait3A_94] : memref<10000x16xf32, #tpu.memory_space<vmem_shared>> -> memref<65x16xf32, #tpu.memory_space<vmem_shared>>
      %dma_wait3A_96 = arith.constant 0 : i32
      %dma_wait3A_97 = arith.constant 0 : i32
      %dma_wait3A_98 = tpu.memref_slice %arg6[%dma_wait3A_96, %dma_wait3A_97] : memref<80x16xf32, #tpu.memory_space<vmem>> -> memref<65x16xf32, #tpu.memory_space<vmem>>
      %dma_wait3A_99 = arith.constant 0 : i32
      %dma_wait3A_100 = tpu.memref_slice %arg7[%sub3A_77, %dma_wait3A_99] : memref<10000x16xf32, #tpu.memory_space<vmem_shared>> -> memref<65x16xf32, #tpu.memory_space<vmem_shared>>
      tpu.wait_dma2 semaphore(%run_scoped3A_82 : memref<!tpu.dma_semaphore, #tpu.memory_space<semaphore_mem>>) src(%dma_wait3A_100 : memref<65x16xf32, #tpu.memory_space<vmem_shared>>) dst(%dma_wait3A_98 : memref<65x16xf32, #tpu.memory_space<vmem>>)
      tpu.yield
    }) : () -> ()
    %add3A_78 = arith.constant 625 : i32
    %add3A_79 = arith.addi %mul3A_2, %add3A_78 : i32
    %sub3A_80 = arith.constant 65 : i32
    %sub3A_81 = arith.subi %add3A_79, %sub3A_80 : i32
    "tpu.region"() ({
      %run_scoped3A_82 = tpu.sem_alloc : memref<!tpu.dma_semaphore, #tpu.memory_space<semaphore_mem>>
      %dma_start3A = arith.constant 0 : i32
      %dma_start3A_83 = arith.constant 0 : i32
      %dma_start3A_84 = tpu.memref_slice %arg6[%dma_start3A, %dma_start3A_83] : memref<80x16xf32, #tpu.memory_space<vmem>> -> memref<65x16xf32, #tpu.memory_space<vmem>>
      %dma_start3A_85 = arith.constant 0 : i32
      %dma_start3A_86 = tpu.memref_slice %arg3[%arg0, %sub3A_81, %dma_start3A_85] : memref<2x10000x16xf32, #tpu.memory_space<hbm>> -> memref<1x65x16xf32, #tpu.memory_space<hbm>>
      %dma_start3A_87 = tpu.memref_squeeze %dma_start3A_86 : memref<1x65x16xf32, #tpu.memory_space<hbm>> -> memref<65x16xf32, #tpu.memory_space<hbm>>
      %dma_start3A_88 = arith.constant 0 : i32
      %dma_start3A_89 = tpu.memref_slice %arg3[%arg0, %sub3A_81, %dma_start3A_88] : memref<2x10000x16xf32, #tpu.memory_space<hbm>> -> memref<1x65x16xf32, #tpu.memory_space<hbm>>
      %dma_start3A_90 = tpu.memref_squeeze %dma_start3A_89 : memref<1x65x16xf32, #tpu.memory_space<hbm>> -> memref<65x16xf32, #tpu.memory_space<hbm>>
      %dma_start3A_91 = arith.constant 0 : i32
      %dma_start3A_92 = arith.constant 0 : i32
      %dma_start3A_93 = tpu.memref_slice %arg6[%dma_start3A_91, %dma_start3A_92] : memref<80x16xf32, #tpu.memory_space<vmem>> -> memref<65x16xf32, #tpu.memory_space<vmem>>
      tpu.enqueue_dma source(%dma_start3A_93 : memref<65x16xf32, #tpu.memory_space<vmem>>) target(%dma_start3A_90 : memref<65x16xf32, #tpu.memory_space<hbm>>) target_semaphore(%run_scoped3A_82 : memref<!tpu.dma_semaphore, #tpu.memory_space<semaphore_mem>>)
      %dma_wait3A = arith.constant 0 : i32
      %dma_wait3A_94 = arith.constant 0 : i32
      %dma_wait3A_95 = tpu.memref_slice %arg6[%dma_wait3A, %dma_wait3A_94] : memref<80x16xf32, #tpu.memory_space<vmem>> -> memref<65x16xf32, #tpu.memory_space<vmem>>
      %dma_wait3A_96 = arith.constant 0 : i32
      %dma_wait3A_97 = tpu.memref_slice %arg3[%arg0, %sub3A_81, %dma_wait3A_96] : memref<2x10000x16xf32, #tpu.memory_space<hbm>> -> memref<1x65x16xf32, #tpu.memory_space<hbm>>
      %dma_wait3A_98 = tpu.memref_squeeze %dma_wait3A_97 : memref<1x65x16xf32, #tpu.memory_space<hbm>> -> memref<65x16xf32, #tpu.memory_space<hbm>>
      %dma_wait3A_99 = arith.constant 0 : i32
      %dma_wait3A_100 = tpu.memref_slice %arg3[%arg0, %sub3A_81, %dma_wait3A_99] : memref<2x10000x16xf32, #tpu.memory_space<hbm>> -> memref<1x65x16xf32, #tpu.memory_space<hbm>>
      %dma_wait3A_101 = tpu.memref_squeeze %dma_wait3A_100 : memref<1x65x16xf32, #tpu.memory_space<hbm>> -> memref<65x16xf32, #tpu.memory_space<hbm>>
      %dma_wait3A_102 = arith.constant 0 : i32
      %dma_wait3A_103 = arith.constant 0 : i32
      %dma_wait3A_104 = tpu.memref_slice %arg6[%dma_wait3A_102, %dma_wait3A_103] : memref<80x16xf32, #tpu.memory_space<vmem>> -> memref<65x16xf32, #tpu.memory_space<vmem>>
      tpu.wait_dma2 semaphore(%run_scoped3A_82 : memref<!tpu.dma_semaphore, #tpu.memory_space<semaphore_mem>>) src(%dma_wait3A_104 : memref<65x16xf32, #tpu.memory_space<vmem>>) dst(%dma_wait3A_101 : memref<65x16xf32, #tpu.memory_space<hbm>>)
      tpu.yield
    }) : () -> ()
    return
  }
}

module attributes {stable_mosaic.version = 14 : i64} {
  func.func @_scale_body(%arg0: i32, %arg1: memref<2000x128xf32, #tpu.memory_space<vmem>>, %arg2: memref<128x128xf32, #tpu.memory_space<vmem>>, %arg3: memref<2x2000x16xf32, #tpu.memory_space<vmem>>, %arg4: memref<2000x128xf32, #tpu.memory_space<vmem>>) attributes {dimension_semantics = [#tpu.dimension_semantics<arbitrary>], iteration_bounds = array<i64: 5>, scalar_prefetch = 0 : i64, scratch_operands = 0 : i64, tpu.core_type = #tpu.core_type<tc>, window_params = [{transform_indices = @transform_0, window_bounds = array<i64: 2000, 128>}, {pipeline_mode = #tpu.pipeline_mode<synchronous>, transform_indices = @transform_1, window_bounds = array<i64: 128, 128>}, {transform_indices = @transform_2, window_bounds = array<i64: 2, 2000, 16>}, {transform_indices = @transform_3, window_bounds = array<i64: 2000, 128>}]} {
    %get3A = arith.constant 0 : index
    %get3A_0 = arith.constant 0 : index
    %get3A_1 = arith.constant 0 : index
    %get3A_2 = vector.load %arg3[%get3A, %get3A_0, %get3A_1] : memref<2x2000x16xf32, #tpu.memory_space<vmem>>, vector<1x2000x1xf32>
    %get3A_3 = vector.shape_cast %get3A_2 : vector<1x2000x1xf32> to vector<2000xf32>
    %get3A_4 = arith.constant 1 : index
    %get3A_5 = arith.constant 0 : index
    %get3A_6 = arith.constant 0 : index
    %get3A_7 = vector.load %arg3[%get3A_4, %get3A_5, %get3A_6] : memref<2x2000x16xf32, #tpu.memory_space<vmem>>, vector<1x2000x1xf32>
    %get3A_8 = vector.shape_cast %get3A_7 : vector<1x2000x1xf32> to vector<2000xf32>
    %add3A = arith.addf %get3A_3, %get3A_8 : vector<2000xf32>
    %add3A_9 = arith.constant 1.000000e+00 : f32
    %add3A_10 = vector.broadcast %add3A_9 : f32 to vector<2000xf32>
    %add3A_11 = arith.addf %add3A, %add3A_10 : vector<2000xf32>
    %rsqrt3A = math.rsqrt %add3A_11 : vector<2000xf32>
    %get3A_12 = arith.constant 0 : index
    %get3A_13 = arith.constant 0 : index
    %get3A_14 = vector.load %arg1[%get3A_12, %get3A_13] : memref<2000x128xf32, #tpu.memory_space<vmem>>, vector<2000x128xf32>
    %get3A_15 = arith.constant 0 : index
    %get3A_16 = arith.constant 0 : index
    %get3A_17 = vector.load %arg2[%get3A_15, %get3A_16] : memref<128x128xf32, #tpu.memory_space<vmem>>, vector<128x128xf32>
    %dot_general3A = arith.constant dense<0.000000e+00> : vector<2000x128xf32>
    %dot_general3A_18 = tpu.matmul %get3A_14, %get3A_17, %dot_general3A {dimension_numbers = #tpu.dot_dimension_numbers<[1], [0], [0], [1], [0, 0, 1, 1], [], []>, transpose_lhs_hint = false} : vector<2000x128xf32>, vector<128x128xf32>, vector<2000x128xf32> -> vector<2000x128xf32>
    %broadcast_in_dim3A = vector.shape_cast %rsqrt3A : vector<2000xf32> to vector<2000x1xf32>
    %mul3A = vector.broadcast %broadcast_in_dim3A : vector<2000x1xf32> to vector<2000x128xf32>
    %mul3A_19 = arith.mulf %dot_general3A_18, %mul3A : vector<2000x128xf32>
    %swap3A = arith.constant 0 : index
    %swap3A_20 = arith.constant 0 : index
    %swap3A_21 = vector.load %arg4[%swap3A, %swap3A_20] : memref<2000x128xf32, #tpu.memory_space<vmem>>, vector<2000x128xf32>
    tpu.vector_store %arg4[%swap3A, %swap3A_20], %mul3A_19 {strides = array<i32>} : memref<2000x128xf32, #tpu.memory_space<vmem>>, vector<2000x128xf32>,
    return
  }
  func.func @transform_0(%arg0: i32) -> (i32, i32) {
    %c0_i32 = arith.constant 0 : i32
    %c0_i32_0 = arith.constant 0 : i32
    return %arg0, %c0_i32 : i32, i32
  }
  func.func @transform_1(%arg0: i32) -> (i32, i32) {
    %c0_i32 = arith.constant 0 : i32
    %c0_i32_0 = arith.constant 0 : i32
    %c0_i32_1 = arith.constant 0 : i32
    return %c0_i32, %c0_i32_0 : i32, i32
  }
  func.func @transform_2(%arg0: i32) -> (i32, i32, i32) {
    %c0_i32 = arith.constant 0 : i32
    %c0_i32_0 = arith.constant 0 : i32
    %c0_i32_1 = arith.constant 0 : i32
    return %c0_i32, %arg0, %c0_i32_0 : i32, i32, i32
  }
  func.func @transform_3(%arg0: i32) -> (i32, i32) {
    %c0_i32 = arith.constant 0 : i32
    %c0_i32_0 = arith.constant 0 : i32
    return %arg0, %c0_i32 : i32, i32
  }
}

module attributes {stable_mosaic.version = 14 : i64} {
  func.func @_head_body(%arg0: i32, %arg1: i32, %arg2: memref<2x2000x128xf32, #tpu.memory_space<vmem>>, %arg3: memref<2000x128xf32, #tpu.memory_space<vmem>>, %arg4: memref<2x2000x16xf32, #tpu.memory_space<vmem>>, %arg5: memref<1x128xf32, #tpu.memory_space<vmem>>, %arg6: memref<128x32xf32, #tpu.memory_space<vmem>>, %arg7: memref<1x32xf32, #tpu.memory_space<vmem>>, %arg8: memref<32x32xf32, #tpu.memory_space<vmem>>, %arg9: memref<1x32xf32, #tpu.memory_space<vmem>>, %arg10: memref<1x32xf32, #tpu.memory_space<vmem>>, %arg11: memref<1x1xf32, #tpu.memory_space<vmem>>, %arg12: memref<2000x1xf32, #tpu.memory_space<vmem>>, %arg13: memref<10000x1xf32, #tpu.memory_space<vmem>>, %arg14: memref<1x1xf32, #tpu.memory_space<smem>>) attributes {dimension_semantics = [#tpu.dimension_semantics<arbitrary>, #tpu.dimension_semantics<arbitrary>], iteration_bounds = array<i64: 2, 5>, scalar_prefetch = 0 : i64, scratch_operands = 2 : i64, tpu.core_type = #tpu.core_type<tc>, window_params = [{transform_indices = @transform_0, window_bounds = array<i64: 2, 2000, 128>}, {transform_indices = @transform_1, window_bounds = array<i64: 2000, 128>}, {transform_indices = @transform_2, window_bounds = array<i64: 2, 2000, 16>}, {pipeline_mode = #tpu.pipeline_mode<synchronous>, transform_indices = @transform_3, window_bounds = array<i64: 1, 128>}, {pipeline_mode = #tpu.pipeline_mode<synchronous>, transform_indices = @transform_4, window_bounds = array<i64: 128, 32>}, {pipeline_mode = #tpu.pipeline_mode<synchronous>, transform_indices = @transform_5, window_bounds = array<i64: 1, 32>}, {pipeline_mode = #tpu.pipeline_mode<synchronous>, transform_indices = @transform_6, window_bounds = array<i64: 32, 32>}, {pipeline_mode = #tpu.pipeline_mode<synchronous>, transform_indices = @transform_7, window_bounds = array<i64: 1, 32>}, {pipeline_mode = #tpu.pipeline_mode<synchronous>, transform_indices = @transform_8, window_bounds = array<i64: 1, 32>}, {pipeline_mode = #tpu.pipeline_mode<synchronous>, transform_indices = @transform_9, window_bounds = array<i64: 1, 1>}, {transform_indices = @transform_10, window_bounds = array<i64: 2000, 1>}]} {
    %eq3A = arith.constant 0 : i32
    %eq3A_0 = arith.cmpi eq, %arg0, %eq3A : i32
    %convert_element_type3A = arith.extui %eq3A_0 : i1 to i32
    %cond3A = arith.constant 0 : i32
    %cond3A_1 = arith.cmpi ne, %convert_element_type3A, %cond3A : i32
    scf.if %cond3A_1 {
      %get3A = arith.constant 0 : index
      %get3A_7 = arith.constant 0 : index
      %get3A_8 = arith.constant 0 : index
      %get3A_9 = vector.load %arg4[%get3A, %get3A_7, %get3A_8] : memref<2x2000x16xf32, #tpu.memory_space<vmem>>, vector<1x2000x1xf32>
      %get3A_10 = vector.shape_cast %get3A_9 : vector<1x2000x1xf32> to vector<2000xf32>
      %get3A_11 = arith.constant 1 : index
      %get3A_12 = arith.constant 0 : index
      %get3A_13 = arith.constant 0 : index
      %get3A_14 = vector.load %arg4[%get3A_11, %get3A_12, %get3A_13] : memref<2x2000x16xf32, #tpu.memory_space<vmem>>, vector<1x2000x1xf32>
      %get3A_15 = vector.shape_cast %get3A_14 : vector<1x2000x1xf32> to vector<2000xf32>
      %add3A = arith.addf %get3A_10, %get3A_15 : vector<2000xf32>
      %add3A_16 = arith.constant 1.000000e+00 : f32
      %add3A_17 = vector.broadcast %add3A_16 : f32 to vector<2000xf32>
      %add3A_18 = arith.addf %add3A, %add3A_17 : vector<2000xf32>
      %rsqrt3A = math.rsqrt %add3A_18 : vector<2000xf32>
      %get3A_19 = arith.constant 0 : index
      %get3A_20 = arith.constant 0 : index
      %get3A_21 = arith.constant 0 : index
      %get3A_22 = vector.load %arg2[%get3A_19, %get3A_20, %get3A_21] : memref<2x2000x128xf32, #tpu.memory_space<vmem>>, vector<1x2000x128xf32>
      %get3A_23 = vector.shape_cast %get3A_22 : vector<1x2000x128xf32> to vector<2000x128xf32>
      %get3A_24 = arith.constant 1 : index
      %get3A_25 = arith.constant 0 : index
      %get3A_26 = arith.constant 0 : index
      %get3A_27 = vector.load %arg2[%get3A_24, %get3A_25, %get3A_26] : memref<2x2000x128xf32, #tpu.memory_space<vmem>>, vector<1x2000x128xf32>
      %get3A_28 = vector.shape_cast %get3A_27 : vector<1x2000x128xf32> to vector<2000x128xf32>
      %add3A_29 = arith.addf %get3A_23, %get3A_28 : vector<2000x128xf32>
      %broadcast_in_dim3A = vector.shape_cast %rsqrt3A : vector<2000xf32> to vector<2000x1xf32>
      %mul3A = vector.broadcast %broadcast_in_dim3A : vector<2000x1xf32> to vector<2000x128xf32>
      %mul3A_30 = arith.mulf %add3A_29, %mul3A : vector<2000x128xf32>
      %get3A_31 = arith.constant 0 : index
      %get3A_32 = arith.constant 0 : index
      %get3A_33 = vector.load %arg5[%get3A_31, %get3A_32] : memref<1x128xf32, #tpu.memory_space<vmem>>, vector<1x128xf32>
      %add3A_34 = vector.broadcast %get3A_33 : vector<1x128xf32> to vector<2000x128xf32>
      %add3A_35 = arith.addf %mul3A_30, %add3A_34 : vector<2000x128xf32>
      %max3A = arith.constant 0.000000e+00 : f32
      %max3A_36 = vector.broadcast %max3A : f32 to vector<2000x128xf32>
      %max3A_37 = arith.maximumf %add3A_35, %max3A_36 : vector<2000x128xf32>
      %get3A_38 = arith.constant 0 : index
      %get3A_39 = arith.constant 0 : index
      %get3A_40 = vector.load %arg3[%get3A_38, %get3A_39] : memref<2000x128xf32, #tpu.memory_space<vmem>>, vector<2000x128xf32>
      %add3A_41 = arith.addf %max3A_37, %get3A_40 : vector<2000x128xf32>
      %get3A_42 = arith.constant 0 : index
      %get3A_43 = arith.constant 0 : index
      %get3A_44 = vector.load %arg6[%get3A_42, %get3A_43] : memref<128x32xf32, #tpu.memory_space<vmem>>, vector<128x32xf32>
      %dot_general3A = arith.constant dense<0.000000e+00> : vector<2000x32xf32>
      %dot_general3A_45 = tpu.matmul %add3A_41, %get3A_44, %dot_general3A {dimension_numbers = #tpu.dot_dimension_numbers<[1], [0], [0], [1], [0, 0, 1, 1], [], []>, transpose_lhs_hint = false} : vector<2000x128xf32>, vector<128x32xf32>, vector<2000x32xf32> -> vector<2000x32xf32>
      %get3A_46 = arith.constant 0 : index
      %get3A_47 = arith.constant 0 : index
      %get3A_48 = vector.load %arg7[%get3A_46, %get3A_47] : memref<1x32xf32, #tpu.memory_space<vmem>>, vector<1x32xf32>
      %add3A_49 = vector.broadcast %get3A_48 : vector<1x32xf32> to vector<2000x32xf32>
      %add3A_50 = arith.addf %dot_general3A_45, %add3A_49 : vector<2000x32xf32>
      %gt3A = arith.constant 0.000000e+00 : f32
      %gt3A_51 = vector.broadcast %gt3A : f32 to vector<2000x32xf32>
      %gt3A_52 = arith.cmpf ogt, %add3A_50, %gt3A_51 : vector<2000x32xf32>
      %mul3A_53 = arith.constant 0.00999999977 : f32
      %mul3A_54 = vector.broadcast %mul3A_53 : f32 to vector<2000x32xf32>
      %mul3A_55 = arith.mulf %mul3A_54, %add3A_50 : vector<2000x32xf32>
      %select_n3A = arith.select %gt3A_52, %add3A_50, %mul3A_55 : vector<2000x32xi1>, vector<2000x32xf32>
      %get3A_56 = arith.constant 0 : index
      %get3A_57 = arith.constant 0 : index
      %get3A_58 = vector.load %arg8[%get3A_56, %get3A_57] : memref<32x32xf32, #tpu.memory_space<vmem>>, vector<32x32xf32>
      %dot_general3A_59 = arith.constant dense<0.000000e+00> : vector<2000x32xf32>
      %dot_general3A_60 = tpu.matmul %select_n3A, %get3A_58, %dot_general3A_59 {dimension_numbers = #tpu.dot_dimension_numbers<[1], [0], [0], [1], [0, 0, 1, 1], [], []>, transpose_lhs_hint = false} : vector<2000x32xf32>, vector<32x32xf32>, vector<2000x32xf32> -> vector<2000x32xf32>
      %get3A_61 = arith.constant 0 : index
      %get3A_62 = arith.constant 0 : index
      %get3A_63 = vector.load %arg9[%get3A_61, %get3A_62] : memref<1x32xf32, #tpu.memory_space<vmem>>, vector<1x32xf32>
      %add3A_64 = vector.broadcast %get3A_63 : vector<1x32xf32> to vector<2000x32xf32>
      %add3A_65 = arith.addf %dot_general3A_60, %add3A_64 : vector<2000x32xf32>
      %gt3A_66 = arith.constant 0.000000e+00 : f32
      %gt3A_67 = vector.broadcast %gt3A_66 : f32 to vector<2000x32xf32>
      %gt3A_68 = arith.cmpf ogt, %add3A_65, %gt3A_67 : vector<2000x32xf32>
      %mul3A_69 = arith.constant 0.00999999977 : f32
      %mul3A_70 = vector.broadcast %mul3A_69 : f32 to vector<2000x32xf32>
      %mul3A_71 = arith.mulf %mul3A_70, %add3A_65 : vector<2000x32xf32>
      %select_n3A_72 = arith.select %gt3A_68, %add3A_65, %mul3A_71 : vector<2000x32xi1>, vector<2000x32xf32>
      %get3A_73 = arith.constant 0 : index
      %get3A_74 = arith.constant 0 : index
      %get3A_75 = vector.load %arg10[%get3A_73, %get3A_74] : memref<1x32xf32, #tpu.memory_space<vmem>>, vector<1x32xf32>
      %mul3A_76 = vector.broadcast %get3A_75 : vector<1x32xf32> to vector<2000x32xf32>
      %mul3A_77 = arith.mulf %select_n3A_72, %mul3A_76 : vector<2000x32xf32>
      %reduce_sum3A = arith.constant dense<0.000000e+00> : vector<2000xf32>
      %reduce_sum3A_78 = vector.multi_reduction <add>, %mul3A_77, %reduce_sum3A [1] : vector<2000x32xf32> to vector<2000xf32>
      %broadcast_in_dim3A_79 = vector.shape_cast %reduce_sum3A_78 : vector<2000xf32> to vector<2000x1xf32>
      %get3A_80 = arith.constant 0 : index
      %get3A_81 = arith.constant 0 : index
      %get3A_82 = vector.load %arg11[%get3A_80, %get3A_81] : memref<1x1xf32, #tpu.memory_space<vmem>>, vector<1x1xf32>
      %add3A_83 = vector.broadcast %get3A_82 : vector<1x1xf32> to vector<2000x1xf32>
      %add3A_84 = arith.addf %broadcast_in_dim3A_79, %add3A_83 : vector<2000x1xf32>
      %max3A_85 = arith.constant 0.000000e+00 : f32
      %max3A_86 = vector.broadcast %max3A_85 : f32 to vector<2000x1xf32>
      %max3A_87 = arith.maximumf %add3A_84, %max3A_86 : vector<2000x1xf32>
      %abs3A = math.absf %add3A_84 : vector<2000x1xf32>
      %neg3A = arith.constant 0.000000e+00 : f32
      %neg3A_88 = vector.broadcast %neg3A : f32 to vector<2000x1xf32>
      %neg3A_89 = arith.subf %neg3A_88, %abs3A : vector<2000x1xf32>
      %exp3A = math.exp %neg3A_89 : vector<2000x1xf32>
      %log1p3A = math.log1p %exp3A : vector<2000x1xf32>
      %add3A_90 = arith.addf %max3A_87, %log1p3A : vector<2000x1xf32>
      %mul3A_91 = arith.constant 2000 : i32
      %mul3A_92 = arith.muli %arg1, %mul3A_91 : i32
      %swap3A = arith.index_cast %mul3A_92 : i32 to index
      %swap3A_93 = arith.constant 0 : index
      %swap3A_94 = vector.load %arg13[%swap3A, %swap3A_93] : memref<10000x1xf32, #tpu.memory_space<vmem>>, vector<2000x1xf32>
      tpu.vector_store %arg13[%swap3A, %swap3A_93], %add3A_90 {strides = array<i32>} : memref<10000x1xf32, #tpu.memory_space<vmem>>, vector<2000x1xf32>,
      %eq3A_95 = arith.constant 0 : i32
      %eq3A_96 = arith.cmpi eq, %arg1, %eq3A_95 : i32
      %convert_element_type3A_97 = arith.extui %eq3A_96 : i1 to i32
      %cond3A_98 = arith.constant 0 : i32
      %cond3A_99 = arith.cmpi ne, %convert_element_type3A_97, %cond3A_98 : i32
      scf.if %cond3A_99 {
        %swap3A_115 = arith.constant 0.000000e+00 : f32
        %swap3A_116 = arith.constant 0 : index
        %swap3A_117 = arith.constant 0 : index
        %swap3A_118 = memref.load %arg14[%swap3A_116, %swap3A_117] : memref<1x1xf32, #tpu.memory_space<smem>>
        memref.store %swap3A_115, %arg14[%swap3A_116, %swap3A_117] : memref<1x1xf32, #tpu.memory_space<smem>>
      } else {
      }
      %get3A_100 = arith.constant 0 : index
      %get3A_101 = arith.constant 0 : index
      %get3A_102 = memref.load %arg14[%get3A_100, %get3A_101] : memref<1x1xf32, #tpu.memory_space<smem>>
      %reduce_sum3A_103 = vector.shape_cast %add3A_90 : vector<2000x1xf32> to vector<1x2000x1xf32>
      %reduce_sum3A_104 = arith.constant dense<0.000000e+00> : vector<1xf32>
      %reduce_sum3A_105 = vector.multi_reduction <add>, %reduce_sum3A_103, %reduce_sum3A_104 [1, 2] : vector<1x2000x1xf32> to vector<1xf32>
      %reduce_sum3A_106 = vector.shape_cast %reduce_sum3A_105 : vector<1xf32> to vector<1x1x1xf32>
      %reduce_sum3A_107 = vector.extract %reduce_sum3A_106[0, 0, 0] : f32 from vector<1x1x1xf32>
      %add3A_108 = arith.addf %get3A_102, %reduce_sum3A_107 : f32
      %swap3A_109 = arith.constant 0 : index
      %swap3A_110 = arith.constant 0 : index
      %swap3A_111 = memref.load %arg14[%swap3A_109, %swap3A_110] : memref<1x1xf32, #tpu.memory_space<smem>>
      memref.store %add3A_108, %arg14[%swap3A_109, %swap3A_110] : memref<1x1xf32, #tpu.memory_space<smem>>
      %swap3A_112 = arith.constant 0 : index
      %swap3A_113 = arith.constant 0 : index
      %swap3A_114 = vector.load %arg12[%swap3A_112, %swap3A_113] : memref<2000x1xf32, #tpu.memory_space<vmem>>, vector<2000x1xf32>
      tpu.vector_store %arg12[%swap3A_112, %swap3A_113], %add3A_90 {strides = array<i32>} : memref<2000x1xf32, #tpu.memory_space<vmem>>, vector<2000x1xf32>,
    } else {
    }
    %eq3A_2 = arith.constant 1 : i32
    %eq3A_3 = arith.cmpi eq, %arg0, %eq3A_2 : i32
    %convert_element_type3A_4 = arith.extui %eq3A_3 : i1 to i32
    %cond3A_5 = arith.constant 0 : i32
    %cond3A_6 = arith.cmpi ne, %convert_element_type3A_4, %cond3A_5 : i32
    scf.if %cond3A_6 {
      %mul3A = arith.constant 2000 : i32
      %mul3A_7 = arith.muli %arg1, %mul3A : i32
      %get3A = arith.index_cast %mul3A_7 : i32 to index
      %get3A_8 = arith.constant 0 : index
      %get3A_9 = vector.load %arg13[%get3A, %get3A_8] : memref<10000x1xf32, #tpu.memory_space<vmem>>, vector<2000x1xf32>
      %get3A_10 = arith.constant 0 : index
      %get3A_11 = arith.constant 0 : index
      %get3A_12 = memref.load %arg14[%get3A_10, %get3A_11] : memref<1x1xf32, #tpu.memory_space<smem>>
      %add3A = arith.constant 9.99999968E-21 : f32
      %add3A_13 = arith.addf %get3A_12, %add3A : f32
      %div3A = vector.broadcast %add3A_13 : f32 to vector<2000x1xf32>
      %div3A_14 = arith.divf %get3A_9, %div3A : vector<2000x1xf32>
      %swap3A = arith.constant 0 : index
      %swap3A_15 = arith.constant 0 : index
      %swap3A_16 = vector.load %arg12[%swap3A, %swap3A_15] : memref<2000x1xf32, #tpu.memory_space<vmem>>, vector<2000x1xf32>
      tpu.vector_store %arg12[%swap3A, %swap3A_15], %div3A_14 {strides = array<i32>} : memref<2000x1xf32, #tpu.memory_space<vmem>>, vector<2000x1xf32>,
    } else {
    }
    return
  }
  func.func @transform_0(%arg0: i32, %arg1: i32) -> (i32, i32, i32) {
    %sub3A = arith.constant 1 : i32
    %sub3A_0 = arith.subi %sub3A, %arg0 : i32
    %mul3A = arith.muli %arg1, %sub3A_0 : i32
    %c0_i32 = arith.constant 0 : i32
    %c0_i32_1 = arith.constant 0 : i32
    %c0_i32_2 = arith.constant 0 : i32
    return %c0_i32, %mul3A, %c0_i32_1 : i32, i32, i32
  }
  func.func @transform_1(%arg0: i32, %arg1: i32) -> (i32, i32) {
    %sub3A = arith.constant 1 : i32
    %sub3A_0 = arith.subi %sub3A, %arg0 : i32
    %mul3A = arith.muli %arg1, %sub3A_0 : i32
    %c0_i32 = arith.constant 0 : i32
    %c0_i32_1 = arith.constant 0 : i32
    return %mul3A, %c0_i32 : i32, i32
  }
  func.func @transform_2(%arg0: i32, %arg1: i32) -> (i32, i32, i32) {
    %sub3A = arith.constant 1 : i32
    %sub3A_0 = arith.subi %sub3A, %arg0 : i32
    %mul3A = arith.muli %arg1, %sub3A_0 : i32
    %c0_i32 = arith.constant 0 : i32
    %c0_i32_1 = arith.constant 0 : i32
    %c0_i32_2 = arith.constant 0 : i32
    return %c0_i32, %mul3A, %c0_i32_1 : i32, i32, i32
  }
  func.func @transform_3(%arg0: i32, %arg1: i32) -> (i32, i32) {
    %c0_i32 = arith.constant 0 : i32
    %c0_i32_0 = arith.constant 0 : i32
    %c0_i32_1 = arith.constant 0 : i32
    return %c0_i32, %c0_i32_0 : i32, i32
  }
  func.func @transform_4(%arg0: i32, %arg1: i32) -> (i32, i32) {
    %c0_i32 = arith.constant 0 : i32
    %c0_i32_0 = arith.constant 0 : i32
    %c0_i32_1 = arith.constant 0 : i32
    return %c0_i32, %c0_i32_0 : i32, i32
  }
  func.func @transform_5(%arg0: i32, %arg1: i32) -> (i32, i32) {
    %c0_i32 = arith.constant 0 : i32
    %c0_i32_0 = arith.constant 0 : i32
    %c0_i32_1 = arith.constant 0 : i32
    return %c0_i32, %c0_i32_0 : i32, i32
  }
  func.func @transform_6(%arg0: i32, %arg1: i32) -> (i32, i32) {
    %c0_i32 = arith.constant 0 : i32
    %c0_i32_0 = arith.constant 0 : i32
    %c0_i32_1 = arith.constant 0 : i32
    return %c0_i32, %c0_i32_0 : i32, i32
  }
  func.func @transform_7(%arg0: i32, %arg1: i32) -> (i32, i32) {
    %c0_i32 = arith.constant 0 : i32
    %c0_i32_0 = arith.constant 0 : i32
    %c0_i32_1 = arith.constant 0 : i32
    return %c0_i32, %c0_i32_0 : i32, i32
  }
  func.func @transform_8(%arg0: i32, %arg1: i32) -> (i32, i32) {
    %c0_i32 = arith.constant 0 : i32
    %c0_i32_0 = arith.constant 0 : i32
    %c0_i32_1 = arith.constant 0 : i32
    return %c0_i32, %c0_i32_0 : i32, i32
  }
  func.func @transform_9(%arg0: i32, %arg1: i32) -> (i32, i32) {
    %c0_i32 = arith.constant 0 : i32
    %c0_i32_0 = arith.constant 0 : i32
    %c0_i32_1 = arith.constant 0 : i32
    return %c0_i32, %c0_i32_0 : i32, i32
  }
  func.func @transform_10(%arg0: i32, %arg1: i32) -> (i32, i32) {
    %c0_i32 = arith.constant 0 : i32
    %c0_i32_0 = arith.constant 0 : i32
    return %arg1, %c0_i32 : i32, i32
  }
}

</mosaic_0001>

<sc_bundles>
// kernel: kernel.6.cloned.1.call-start
scs
__scs_entry_jumppad:
0x0: {  	(pc) =	sbr.rel $0x88, $3  }
0x1: {  	(tag) =	ssettag $0x0;
	lr =	simm.s32 $0x1  }
0x2: {  	[smem:$0x3F97] =	sst lr;
	_ =	strace $0xD0000000  }
0x3: {  	_ = 	snop  }
0x4: {  	_ = 	snop  }
0x5: {  	_ = 	snop  }
0x6: {  	_ = 	snop  }
0x7: {  	_ = 	snop  }
__scs_overlays_trampoline_lowered:
0x8: {  	[smem:$0x3FA6] =	sst s0  }
0x9: {  	[smem:$0x3FA7] =	sst s1  }
0xa: {  	[smem:$0x3FA8] =	sst s2  }
0xb: {  	[smem:$0x3FA9] =	sst s3  }
0xc: {  	[smem:$0x3FAA] =	sst s4  }
0xd: {  	[smem:$0x3FAB] =	sst s5  }
0xe: {  	[smem:$0x3FAC] =	sst s6  }
0xf: {  	[smem:$0x3FAD] =	sst s7  }
0x10: {  	[smem:$0x3FAE] =	sst s8  }
0x11: {  	[smem:$0x3FAF] =	sst s9;
	s0 =	simm.s32 @!p0 $0x0  }
0x12: {  	s1 =	sld [smem:$0x3F95];
	s0 =	simm.s32 @p0 $0x1  }
0x13: {  	[smem:$0x3FB0] =	sst s0;
	s0 =	simm.s32 @!p1 $0x0  }
0x14: {  	s2 =	sld [smem:$0x3F94];
	s0 =	simm.s32 @p1 $0x1  }
0x15: {  	[smem:$0x3FB1] =	sst s0;
	s0 =	simm.s32 @!p2 $0x0  }
0x16: {  	s3 =	sld [smem:$0x3FDB];
	s0 =	simm.s32 @p2 $0x1  }
0x17: {  	s4 =	simm.s32 $0x1BF5;
	[smem:$0x3FB3] =	sst s0  }
0x18: {  	s0 =	sld [smem:$0x3F96];
	_ =	swait.ge [sflag:s4], $0x0  }
0x19: {  	s7 =	sld [smem:$0x3F97]  }
0x1a: {  	s8 =	sadd.s32 $0xFFFFE003, lr  }
0x1b: {  	s9 =	sadd.s32 $0xFFFFFEF7, lr;
	s5 =	simm.s32 $0xFFFFFFFF;
	p2 =	slt.u32 s8, $0xFFFFF086  }
0x1c: {  	p1 =	slt.u32 s9, $0xF7A;
	s5 =	simm.s32 @!p2 $0x0  }
0x1d: {  	s5 =	simm.s32 @p1 $0x1;
	p0 =	seq.s32 s7, s2  }
0x1e: {  	s7 =	smul.u32 @!p0 $0xF7A, s2;
	p2 =	seq.s32 @!p0 s5, $0x0  }
0x1f: {  	s9 =	smul.u32 $0xF7A, s1;
	s8 =	simm.s32 @!p0 $0x1BF5;
	p2 =	por !p2, p0  }
0x20: {  	[sflag:s8] =	ssyncset.s32 @!p0 $0xFFFFF086;
	s6 =	sadd.s32 @!p0 s3, s7;
	s7 =	simm.s32 @!p0 $0x108  }
0x21: {  	s3 =	sadd.s32 s3, s9;
	s6 =	sadd.s32 @!p0 $0x88, s6;
	s7 =	simm.s32 @p2 $0x1082  }
0x22: {  	[simem:s7], [sflag:s8] =	dma.local @!p0 [hbm:s6], $0xF7A  }
0x23: {  	s9 =	sor.u32 $0xD0000000, s2;
	s6 =	simm.s32 $0x108;
	_ =	swait.ge @!p0 [sflag:s8], $0x0  }
0x24: {  	s3 =	sadd.s32 $0x88, s3;
	s6 =	simm.s32 @!p1 $0x1082;
	[sflag:s4] =	ssyncset.s32 $0xFFFFF086  }
0x25: {  	[simem:s6], [sflag:s4] =	dma.local [hbm:s3], $0xF7A  }
0x26: {  	[smem:$0x3F97] =	sst s1;
	(tag) =	ssettag s2;
	_ =	strace s9  }
0x27: {  	s1 =	sld [smem:$0x3FA7]  }
0x28: {  	s2 =	sld [smem:$0x3FA8]  }
0x29: {  	s4 =	sld [smem:$0x3FAA]  }
0x2a: {  	p0 =	seq.s32 s5, $0x0;
	s5 =	sld [smem:$0x3FAB]  }
0x2b: {  	s6 =	sld [smem:$0x3FAC]  }
0x2c: {  	s7 =	sld [smem:$0x3FAD]  }
0x2d: {  	s3 =	simm.s32 $0x108;
	s8 =	sld [smem:$0x3FAE]  }
0x2e: {  	s3 =	simm.s32 @!p0 $0x1082;
	s9 =	sld [smem:$0x3FAF]  }
0x2f: {  	lr =	sadd.s32 s0, s3;
	s0 =	sld [smem:$0x3FA6]  }
0x30: {  	s3 =	sld [smem:$0x3FA9]  }
0x31: {  	[smem:$0x3FB2] =	sst s10  }
0x32: {  	s10 =	sld [smem:$0x3FB0];
	_ =	sdelay $0x3  }
0x33: {  	p0 =	seq.s32 s10, $0x1;
	s10 =	sld [smem:$0x3FB2];
	_ =	sdelay $0x3  }
0x34: {  	[smem:$0x3FB2] =	sst s10  }
0x35: {  	s10 =	sld [smem:$0x3FB1];
	_ =	sdelay $0x3  }
0x36: {  	p1 =	seq.s32 s10, $0x1;
	s10 =	sld [smem:$0x3FB2];
	_ =	sdelay $0x3  }
0x37: {  	[smem:$0x3FB2] =	sst s10  }
0x38: {  	s10 =	sld [smem:$0x3FB3]  }
0x39: {  	_ = 	snop;
	(pc) =	sbr.ind lr, $3  }
0x3a: {  	_ = 	snop  }
0x3b: {  	_ = 	snop  }
0x3c: {  	p2 =	seq.s32 s10, $0x1;
	s10 =	sld [smem:$0x3FB2]  }
0x3d: {  	_ =	shalt  }
0x3e: {  	_ =	shalt  }
0x3f: {  	_ =	shalt  }
0x40: {  	_ =	shalt  }
0x41: {  	_ =	shalt  }
0x42: {  	_ =	shalt  }
0x43: {  	_ =	shalt  }
0x44: {  	_ =	shalt  }
0x45: {  	_ =	shalt  }
0x46: {  	_ =	shalt  }
0x47: {  	_ =	shalt  }
0x48: {  	_ =	shalt  }
0x49: {  	_ =	shalt  }
0x4a: {  	_ =	shalt  }
0x4b: {  	_ =	shalt  }
0x4c: {  	_ =	shalt  }
0x4d: {  	_ =	shalt  }
0x4e: {  	_ =	shalt  }
0x4f: {  	_ =	shalt  }
0x50: {  	_ =	shalt  }
0x51: {  	_ =	shalt  }
0x52: {  	_ =	shalt  }
0x53: {  	_ =	shalt  }
0x54: {  	_ =	shalt  }
0x55: {  	_ =	shalt  }
0x56: {  	_ =	shalt  }
0x57: {  	_ =	shalt  }
0x58: {  	_ =	shalt  }
0x59: {  	_ =	shalt  }
0x5a: {  	_ =	shalt  }
0x5b: {  	_ =	shalt  }
0x5c: {  	_ =	shalt  }
0x5d: {  	_ =	shalt  }
0x5e: {  	_ =	shalt  }
0x5f: {  	_ =	shalt  }
0x60: {  	_ =	shalt  }
0x61: {  	_ =	shalt  }
0x62: {  	_ =	shalt  }
0x63: {  	_ =	shalt  }
0x64: {  	_ =	shalt  }
0x65: {  	_ =	shalt  }
0x66: {  	_ =	shalt  }
0x67: {  	_ =	shalt  }
0x68: {  	_ =	shalt  }
0x69: {  	_ =	shalt  }
0x6a: {  	_ =	shalt  }
0x6b: {  	_ =	shalt  }
0x6c: {  	_ =	shalt  }
0x6d: {  	_ =	shalt  }
0x6e: {  	_ =	shalt  }
0x6f: {  	_ =	shalt  }
0x70: {  	_ =	shalt  }
0x71: {  	_ =	shalt  }
0x72: {  	_ =	shalt  }
0x73: {  	_ =	shalt  }
0x74: {  	_ =	shalt  }
0x75: {  	_ =	shalt  }
0x76: {  	_ =	shalt  }
0x77: {  	_ =	shalt  }
0x78: {  	_ =	shalt  }
0x79: {  	_ =	shalt  }
0x7a: {  	_ =	shalt  }
0x7b: {  	_ =	shalt  }
0x7c: {  	_ =	shalt  }
0x7d: {  	_ =	shalt  }
0x7e: {  	_ =	shalt  }
0x7f: {  	_ =	shalt  }
0x80: {  	_ =	shalt  }
0x81: {  	_ =	shalt  }
0x82: {  	_ =	shalt  }
0x83: {  	_ =	shalt  }
0x84: {  	_ =	shalt  }
0x85: {  	_ =	shalt  }
0x86: {  	_ =	shalt  }
0x87: {  	_ =	shalt  }
.Lfunc_end0:
.L_simem_size_0:
called_computation_lowered:
.L_overlay_start_0:
0x88: {  	s2 =	sld [smem:$0x3FD9]  }
0x89: {  	s3 =	sld [smem:$0x3FFE];
	_ =	sdelay $0x1  }
0x8a: {  	s1 =	srdreg.scid  }
0x8b: {  	s0 =	sand.u32 $0x1, s1  }
0x8c: {  	s16 =	sshll.u32 s0, $0xA;
	s2 =	sadd.s32 s3, s2  }
0x8d: {  	s2 =	sadd.s32 s2, s16  }
0x8e: {  	[smem:$0x3FBE] =	sst s2  }
0x8f: {  	_ = 	snop  }
0x90: {  	(tm) =	ssettm $0x1  }
0x91: {  	s17 =	sld [smem:$0x3FFB];
	_ =	sdelay $0x3  }
0x92: {  	_ =	strace s17  }
0x93: {  	s2 =	sld [smem:$0x3FFC];
	_ =	sdelay $0x3  }
0x94: {  	_ =	strace s2  }
0x95: {  	s2 =	sld [smem:$0x3FFD];
	_ =	sdelay $0x3  }
0x96: {  	_ =	strace s2  }
0x97: {  	_ =	strace $0x8FFFFFFF  }
0x98: {  	s18 =	sld [smem:$0x3FDB];
	_ =	sdelay $0x1  }
0x99: {  	s19 =	simm.s32 $_scs_section_size  }
0x9a: {  	s4 =	simm.s32 $_size__tile_overlayer_lowered;
	s5 =	simm.s32 $_tile_overlayer_lowered  }
0x9b: {  	s22 =	simm.s32 $0x1BFF;
	s21 =	sshll.u32 s5, $0x1;
	s2 =	sadd.s32 s19, s18  }
0x9c: {  	s6 =	simm.s32 $0x0;
	s20 =	sshll.u32 s4, $0x1;
	s4 =	sadd.s32 s21, s2  }
0x9d: {  	[timem:s6], [sflag:s22] =	dma.local [hbm:s4], s20  }
0x9e: {  	_ =	swait.ge [sflag:s22], s20  }
0x9f: {  	s3 =	ssub.s32 $0x0, s20;
	[sflag:s22] =	ssyncset.done $0x0  }
0xa0: {  	[sflag:s22] =	ssyncadd.s32 s3;
	_ =	sdelay $0x1  }
0xa1: {  	s23 =	simm.s32 $0x1B8B  }
0xa2: {  	_ =	swait.ge [sflag:s23], $0x1  }
0xa3: {  	[sflag:s23] =	ssyncset.done $0x0  }
0xa4: {  	s25 =	simm.s32 $0x1B8E;
	s24 =	sld [smem:$0x3FFE];
	[sflag:s23] =	ssyncadd.s32 $0xFFFFFFFF  }
0xa5: {  	s26 =	simm.s32 $execute0_lowered;
	[smem:$0x3FD2] =	sst s25  }
0xa6: {  	s4 =	sshll.u32 s26, $0x1;
	_ =	strace $0x80000046;
	[dreg:$0x1] =	wrdreg $0xFFFFFFFF  }
0xa7: {  	s28 =	simm.s32 $_size_execute0_lowered;
	s2 =	sadd.s32 s2, s4;
	[dreg:$0x0] =	wrdreg $0x0  }
0xa8: {  	s4 =	sshll.u32 s28, $0x1;
	[dreg:$0x2] =	wrdreg s2  }
0xa9: {  	[dreg:$0x3] =	wrdreg s4  }
0xaa: {  	[dreg:$0x4] =	wrdreg $0xC0  }
0xab: {  	_ =	task [dreg:s6], $0x5FFFF  }
0xac: {  	[dreg:$0x1] =	wrdreg $0xFFFFFFFF  }
0xad: {  	[dreg:$0x0] =	wrdreg $0x60  }
0xae: {  	[dreg:$0x2] =	wrdreg s24  }
0xaf: {  	[dreg:$0x3] =	wrdreg $0x6A900  }
0xb0: {  	[dreg:$0x4] =	wrdreg $0x9  }
0xb1: {  	_ =	task.clear_ibuf [dreg:s6], $0x5FFFF;
	_ =	strace $0x90000046  }
0xb2: {  	s29 =	simm.s32 $0x9;
	_ =	strace $0x80000048  }
0xb3: {  	_ =	swait.ge [sflag:s29], $0x1  }
0xb4: {  	[sflag:s29] =	ssyncadd.s32 $0xFFFFFFFF  }
0xb5: {  	_ =	strace $0x90000048  }
0xb6: {  	_ =	sfence  }
0xb7: {  	s30 =	sld [smem:$0x0];
	_ =	sdelay $0x2  }
0xb8: {  	s31 =	sshll.u32 s1, $0xD;
	s1 =	sshrl.u32 s1, $0x2  }
0xb9: {  	s3 =	sand.u32 $0x4000, s31;
	s1 =	sadd.s32 s1, s30  }
0xba: {  	s0 =	sor.u32 s3, s0;
	s1 =	sshll.u32 s1, $0x11  }
0xbb: {  	s0 =	sor.u32 s1, s0  }
0xbc: {  	s0 =	sadd.s32 $0x8F2B, s0  }
0xbd: {  	[sflag:s0] =	ssyncadd.remote.s32 $0x1  }
0xbe: {  	_ =	sfence.sel $0xFFFF  }
0xbf: {  	[dreg:$0x0] =	wrdreg $0xFFFFFFFF;
	(pc) =	sbr.abs _section_cstart, $3  }
0xc0: {  	[dreg:$0x1] =	wrdreg $0xFFFFFFFF  }
0xc1: {  	_ =	task.clear_ibuf [dreg:s6], $0x2FFFF;
	_ =	strace $0x9FFFFFFF  }
0xc2: {  	(tm) =	ssettm $0x7FFFFFFF  }
0xc3: {  	_ =	shalt  }
tec
execute0_lowered:
.L_overlay_start_1:
0x0: {  	(tag) =	ssettag $0x1  }
0x1: {  	s0 =	srdreg.scid  }
0x2: {  	s1 =	rddreg [dreg:$0x0];
	s7 =	stileid.u32  }
0x3: {  	s2 =	rddreg [dreg:$0x1];
	s23 =	simm.s32 $0x6590;
	s24 =	simm.s32 $0x3E8  }
0x4: {  	s25 =	simm.s32 $0x2710;
	s31 =	simm.s32 $0x1770;
	s26 =	simm.s32 $0x2328  }
0x5: {  	s28 =	simm.s32 $0x0;
	s0 =	sand.u32 $0x1, s0;
	s12 =	smul.u32 $0x2710, s7  }
0x6: {  	s3 =	sshll.u32 s0, $0x4;
	s5 =	ssub.s32 $0x2, s0;
	s0 =	smul.u32 $0x27100, s0  }
0x7: {  	s4 =	sor.u32 s7, s3;
	s3 =	simm.s32 $0x0;
	s6 =	sshrl.u32 s5, $0x1  }
0x8: {  	s13 =	sadd.s32 $0x500, s12;
	s15 =	sadd.s32 $0xA00, s12;
	s16 =	sadd.s32 $0xF00, s12  }
0x9: {  	s17 =	sadd.s32 $0x1400, s12;
	s18 =	sadd.s32 $0x1900, s12;
	s19 =	sadd.s32 $0x1E00, s12  }
0xa: {  	s20 =	sadd.s32 $0x2300, s12;
	s4 =	smul.u32 $0x2710, s4;
	[smem:$0x7FF] =	sst s3  }
0xb: {  	s21 =	ssub.s32 s5, s6;
	s5 =	sadd.s32 s12, s2;
	s6 =	sadd.s32 s13, s2  }
0xc: {  	s7 =	sadd.s32 s15, s2;
	s8 =	sadd.s32 s16, s2;
	s9 =	sadd.s32 s17, s2  }
0xd: {  	s10 =	sadd.s32 s18, s2;
	s11 =	sadd.s32 s19, s2;
	s14 =	sadd.s32 s12, s0  }
0xe: {  	s22 =	sadd.s32 s0, s13;
	s12 =	sadd.s32 s20, s2;
	s15 =	sadd.s32 s0, s15  }
0xf: {  	s16 =	sadd.s32 s0, s16;
	s17 =	sadd.s32 s0, s17;
	s18 =	sadd.s32 s0, s18  }
0x10: {  	s19 =	sadd.s32 s0, s19;
	s0 =	sadd.s32 s0, s20;
	_ =	strace $0x80000047  }
0x11: {  	s14 =	sshrl.u32 s14, $0x3;
	s30 =	sshrl.u32 s22, $0x3;
	s15 =	sshrl.u32 s15, $0x3  }
0x12: {  	s16 =	sshrl.u32 s16, $0x3;
	s17 =	sshrl.u32 s17, $0x3;
	s18 =	sshrl.u32 s18, $0x3  }
0x13: {  	s19 =	sshrl.u32 s19, $0x3;
	s0 =	sshrl.u32 s0, $0x3;
	s4 =	sshrl.u32 s4, $0x3  }
0x14: {  	s21 =	smax.u32 s21, $0x1;
	s4 =	sadd.s32 s1, s4;
	s1 =	sadd.s32 $0x16200, s1  }
0x15: {  	s22 =	simm.s32 $0x1;
	s4 =	sadd.s32 $0xC440, s4;
	s13 =	sadd.s32 s1, s14  }
0x16: {  	s14 =	sadd.s32 s1, s30;
	s15 =	sadd.s32 s1, s15;
	s16 =	sadd.s32 s1, s16  }
0x17: {  	s17 =	sadd.s32 s1, s17;
	s18 =	sadd.s32 s1, s18;
	s19 =	sadd.s32 s1, s19  }
0x18: {  	v0 =	vimm.f32 $0.0e+00;
	v1 =	vimm.f32 $1.000000000e+00;
	s20 =	sadd.s32 s1, s0;
	s1 =	simm.s32 $0x1B58;
	s0 =	simm.s32 $0x1F40  }
.LBB2_1:
0x19: {  	[tilespmem:s3], [sflag:$0x1] =	stream.linear.gather [hbm4b:s4+s3], $0x2710, $0x38;
	[tilespmem:$0x91A0] =	vst v63  }
0x1a: {  	_ =	swait.ge [sflag:s22], $0x2710  }
0x1b: {  	[sflag:s22] =	ssyncset.done $0x0  }
0x1c: {  	s29 =	simm.s32 $0x40;
	s30 =	simm.s32 $0x0;
	[sflag:s22] =	ssyncadd.s32 $0xFFFFD8F0  }
.LBB2_2:
0x1d: {  	p0 =	sne.s32 s29, $0xF9C0;
	[tilespmem:s30+$0x6590] =	vst v0;
	s30 =	smov.u32 s29;
	s29 =	sadd.s32 $0x40, s29  }
.Ltmp0:
0x1e: {  	(pc) =	sbr.rel @p0 .LBB2_2-.Ltmp0, $2  }
0x1f: {  	_ =	sdelay $0x2  }
0x20: {  	s30 =	sshra.s32 s30, $0x2  }
0x21: {  	[tilespmem:s30+$0x6590] =	vst v0  }
0x22: {  	[spmem:s5] =	stream.linear.scatter [tilespmem:s23], [sflag:$0x1], $0x500, $0x38;
	[tilespmem:$0x91A0] =	vst v63  }
0x23: {  	_ =	swait.ge [sflag:s22], $0x500  }
0x24: {  	[sflag:s22] =	ssyncset.done $0x0  }
0x25: {  	[sflag:s22] =	ssyncadd.s32 $0xFFFFFB00  }
0x26: {  	[spmem:s6] =	stream.linear.scatter [tilespmem:s23], [sflag:$0x1], $0x500, $0x38;
	[tilespmem:$0x91A0] =	vst v63  }
0x27: {  	_ =	swait.ge [sflag:s22], $0x500  }
0x28: {  	[sflag:s22] =	ssyncset.done $0x0  }
0x29: {  	[sflag:s22] =	ssyncadd.s32 $0xFFFFFB00  }
0x2a: {  	[spmem:s7] =	stream.linear.scatter [tilespmem:s23], [sflag:$0x1], $0x500, $0x38;
	[tilespmem:$0x91A0] =	vst v63  }
0x2b: {  	_ =	swait.ge [sflag:s22], $0x500  }
0x2c: {  	[sflag:s22] =	ssyncset.done $0x0  }
0x2d: {  	[sflag:s22] =	ssyncadd.s32 $0xFFFFFB00  }
0x2e: {  	[spmem:s8] =	stream.linear.scatter [tilespmem:s23], [sflag:$0x1], $0x500, $0x38;
	[tilespmem:$0x91A0] =	vst v63  }
0x2f: {  	_ =	swait.ge [sflag:s22], $0x500  }
0x30: {  	[sflag:s22] =	ssyncset.done $0x0  }
0x31: {  	[sflag:s22] =	ssyncadd.s32 $0xFFFFFB00  }
0x32: {  	[spmem:s9] =	stream.linear.scatter [tilespmem:s23], [sflag:$0x1], $0x500, $0x38;
	[tilespmem:$0x91A0] =	vst v63  }
0x33: {  	_ =	swait.ge [sflag:s22], $0x500  }
0x34: {  	[sflag:s22] =	ssyncset.done $0x0  }
0x35: {  	[sflag:s22] =	ssyncadd.s32 $0xFFFFFB00  }
0x36: {  	[spmem:s10] =	stream.linear.scatter [tilespmem:s23], [sflag:$0x1], $0x500, $0x38;
	[tilespmem:$0x91A0] =	vst v63  }
0x37: {  	_ =	swait.ge [sflag:s22], $0x500  }
0x38: {  	[sflag:s22] =	ssyncset.done $0x0  }
0x39: {  	[sflag:s22] =	ssyncadd.s32 $0xFFFFFB00  }
0x3a: {  	[spmem:s11] =	stream.linear.scatter [tilespmem:s23], [sflag:$0x1], $0x500, $0x38;
	[tilespmem:$0x91A0] =	vst v63  }
0x3b: {  	_ =	swait.ge [sflag:s22], $0x500  }
0x3c: {  	[sflag:s22] =	ssyncset.done $0x0  }
0x3d: {  	[sflag:s22] =	ssyncadd.s32 $0xFFFFFB00  }
0x3e: {  	[spmem:s12] =	stream.linear.scatter [tilespmem:s23], [sflag:$0x1], $0x410, $0x38;
	[tilespmem:$0x91A0] =	vst v63  }
0x3f: {  	_ =	swait.ge [sflag:s22], $0x410  }
0x40: {  	[sflag:s22] =	ssyncset.done $0x0  }
0x41: {  	s29 =	simm.s32 $0x40;
	s30 =	simm.s32 $0x0;
	[sflag:s22] =	ssyncadd.s32 $0xFFFFFBF0  }
.LBB2_4:
0x42: {  	p0 =	sne.s32 s29, $0xF9C0;
	[tilespmem:s30+$0x2710] =	vst v1;
	s30 =	smov.u32 s29;
	s29 =	sadd.s32 $0x40, s29  }
.Ltmp1:
0x43: {  	(pc) =	sbr.rel @p0 .LBB2_4-.Ltmp1, $2  }
0x44: {  	_ =	sdelay $0x2  }
0x45: {  	s30 =	sshra.s32 s30, $0x2  }
0x46: {  	[tilespmem:s30+$0x2710] =	vst v1  }
0x47: {  	[bflag:$0x0] =	sbarrier.arrive $0xFFFF  }
0x48: {  	[spmem:s2] =	stream.indirect.scatter.add.f32 [tilespmem:s25], [sflag:$0x1], $0x10, s3, s24, $0xb8;
	[tilespmem:$0x91A0] =	vst v63  }
0x49: {  	_ =	swait.ge [sflag:s22], $0x3E80  }
0x4a: {  	[sflag:s22] =	ssyncset.done $0x0  }
0x4b: {  	[sflag:s22] =	ssyncadd.s32 $0xFFFFC180  }
0x4c: {  	[spmem:s2] =	stream.indirect.scatter.add.f32 [tilespmem:s25], [sflag:$0x1], $0x10, s24, s24, $0xb8;
	[tilespmem:$0x91A0] =	vst v63  }
0x4d: {  	_ =	swait.ge [sflag:s22], $0x3E80  }
0x4e: {  	[sflag:s22] =	ssyncset.done $0x0  }
0x4f: {  	s29 =	simm.s32 $0x7D0;
	[sflag:s22] =	ssyncadd.s32 $0xFFFFC180  }
0x50: {  	[spmem:s2] =	stream.indirect.scatter.add.f32 [tilespmem:s25], [sflag:$0x1], $0x10, s29, s24, $0xb8;
	[tilespmem:$0x91A0] =	vst v63  }
0x51: {  	_ =	swait.ge [sflag:s22], $0x3E80  }
0x52: {  	[sflag:s22] =	ssyncset.done $0x0  }
0x53: {  	s30 =	simm.s32 $0xBB8;
	[sflag:s22] =	ssyncadd.s32 $0xFFFFC180  }
0x54: {  	[spmem:s2] =	stream.indirect.scatter.add.f32 [tilespmem:s25], [sflag:$0x1], $0x10, s30, s24, $0xb8;
	[tilespmem:$0x91A0] =	vst v63  }
0x55: {  	_ =	swait.ge [sflag:s22], $0x3E80  }
0x56: {  	[sflag:s22] =	ssyncset.done $0x0  }
0x57: {  	s30 =	simm.s32 $0xFA0;
	[sflag:s22] =	ssyncadd.s32 $0xFFFFC180  }
0x58: {  	[spmem:s2] =	stream.indirect.scatter.add.f32 [tilespmem:s25], [sflag:$0x1], $0x10, s30, s24, $0xb8;
	[tilespmem:$0x91A0] =	vst v63  }
0x59: {  	_ =	swait.ge [sflag:s22], $0x3E80  }
0x5a: {  	[sflag:s22] =	ssyncset.done $0x0  }
0x5b: {  	s30 =	simm.s32 $0x1388;
	[sflag:s22] =	ssyncadd.s32 $0xFFFFC180  }
0x5c: {  	[spmem:s2] =	stream.indirect.scatter.add.f32 [tilespmem:s25], [sflag:$0x1], $0x10, s30, s24, $0xb8;
	[tilespmem:$0x91A0] =	vst v63  }
0x5d: {  	_ =	swait.ge [sflag:s22], $0x3E80  }
0x5e: {  	[sflag:s22] =	ssyncset.done $0x0  }
0x5f: {  	[sflag:s22] =	ssyncadd.s32 $0xFFFFC180  }
0x60: {  	[spmem:s2] =	stream.indirect.scatter.add.f32 [tilespmem:s25], [sflag:$0x1], $0x10, s31, s24, $0xb8;
	[tilespmem:$0x91A0] =	vst v63  }
0x61: {  	_ =	swait.ge [sflag:s22], $0x3E80  }
0x62: {  	[sflag:s22] =	ssyncset.done $0x0  }
0x63: {  	[sflag:s22] =	ssyncadd.s32 $0xFFFFC180  }
0x64: {  	[spmem:s2] =	stream.indirect.scatter.add.f32 [tilespmem:s25], [sflag:$0x1], $0x10, s1, s24, $0xb8;
	[tilespmem:$0x91A0] =	vst v63  }
0x65: {  	_ =	swait.ge [sflag:s22], $0x3E80  }
0x66: {  	[sflag:s22] =	ssyncset.done $0x0  }
0x67: {  	[sflag:s22] =	ssyncadd.s32 $0xFFFFC180  }
0x68: {  	[spmem:s2] =	stream.indirect.scatter.add.f32 [tilespmem:s25], [sflag:$0x1], $0x10, s0, s24, $0xb8;
	[tilespmem:$0x91A0] =	vst v63  }
0x69: {  	_ =	swait.ge [sflag:s22], $0x3E80  }
0x6a: {  	[sflag:s22] =	ssyncset.done $0x0  }
0x6b: {  	[sflag:s22] =	ssyncadd.s32 $0xFFFFC180  }
0x6c: {  	[spmem:s2] =	stream.indirect.scatter.add.f32 [tilespmem:s25], [sflag:$0x1], $0x10, s26, s24, $0xb8;
	[tilespmem:$0x91A0] =	vst v63  }
0x6d: {  	_ =	swait.ge [sflag:s22], $0x3E80  }
0x6e: {  	[sflag:s22] =	ssyncset.done $0x0  }
0x6f: {  	[sflag:s22] =	ssyncadd.s32 $0xFFFFC180  }
0x70: {  	[bflag:$0x0] =	sbarrier.arrive $0xFFFF  }
0x71: {  	[tilespmem:s23], [sflag:$0x1] =	stream.linear.gather [spmem:s5], $0x500, $0x38;
	[tilespmem:$0x91A0] =	vst v63  }
0x72: {  	_ =	swait.ge [sflag:s22], $0x500  }
0x73: {  	[sflag:s22] =	ssyncset.done $0x0  }
0x74: {  	[sflag:s22] =	ssyncadd.s32 $0xFFFFFB00  }
0x75: {  	[hbm4b:s13+s3] =	stream.linear.scatter [tilespmem:s23], [sflag:$0x1], $0x500, $0x38;
	[tilespmem:$0x91A0] =	vst v63  }
0x76: {  	_ =	swait.ge [sflag:s22], $0x500  }
0x77: {  	[sflag:s22] =	ssyncset.done $0x0  }
0x78: {  	[sflag:s22] =	ssyncadd.s32 $0xFFFFFB00  }
0x79: {  	[tilespmem:s23], [sflag:$0x1] =	stream.linear.gather [spmem:s6], $0x500, $0x38;
	[tilespmem:$0x91A0] =	vst v63  }
0x7a: {  	_ =	swait.ge [sflag:s22], $0x500  }
0x7b: {  	[sflag:s22] =	ssyncset.done $0x0  }
0x7c: {  	[sflag:s22] =	ssyncadd.s32 $0xFFFFFB00  }
0x7d: {  	[hbm4b:s14+s3] =	stream.linear.scatter [tilespmem:s23], [sflag:$0x1], $0x500, $0x38;
	[tilespmem:$0x91A0] =	vst v63  }
0x7e: {  	_ =	swait.ge [sflag:s22], $0x500  }
0x7f: {  	[sflag:s22] =	ssyncset.done $0x0  }
0x80: {  	[sflag:s22] =	ssyncadd.s32 $0xFFFFFB00  }
0x81: {  	[tilespmem:s23], [sflag:$0x1] =	stream.linear.gather [spmem:s7], $0x500, $0x38;
	[tilespmem:$0x91A0] =	vst v63  }
0x82: {  	_ =	swait.ge [sflag:s22], $0x500  }
0x83: {  	[sflag:s22] =	ssyncset.done $0x0  }
0x84: {  	[sflag:s22] =	ssyncadd.s32 $0xFFFFFB00  }
0x85: {  	[hbm4b:s15+s3] =	stream.linear.scatter [tilespmem:s23], [sflag:$0x1], $0x500, $0x38;
	[tilespmem:$0x91A0] =	vst v63  }
0x86: {  	_ =	swait.ge [sflag:s22], $0x500  }
0x87: {  	[sflag:s22] =	ssyncset.done $0x0  }
0x88: {  	[sflag:s22] =	ssyncadd.s32 $0xFFFFFB00  }
0x89: {  	[tilespmem:s23], [sflag:$0x1] =	stream.linear.gather [spmem:s8], $0x500, $0x38;
	[tilespmem:$0x91A0] =	vst v63  }
0x8a: {  	_ =	swait.ge [sflag:s22], $0x500  }
0x8b: {  	[sflag:s22] =	ssyncset.done $0x0  }
0x8c: {  	[sflag:s22] =	ssyncadd.s32 $0xFFFFFB00  }
0x8d: {  	[hbm4b:s16+s3] =	stream.linear.scatter [tilespmem:s23], [sflag:$0x1], $0x500, $0x38;
	[tilespmem:$0x91A0] =	vst v63  }
0x8e: {  	_ =	swait.ge [sflag:s22], $0x500  }
0x8f: {  	[sflag:s22] =	ssyncset.done $0x0  }
0x90: {  	[sflag:s22] =	ssyncadd.s32 $0xFFFFFB00  }
0x91: {  	[tilespmem:s23], [sflag:$0x1] =	stream.linear.gather [spmem:s9], $0x500, $0x38;
	[tilespmem:$0x91A0] =	vst v63  }
0x92: {  	_ =	swait.ge [sflag:s22], $0x500  }
0x93: {  	[sflag:s22] =	ssyncset.done $0x0  }
0x94: {  	[sflag:s22] =	ssyncadd.s32 $0xFFFFFB00  }
0x95: {  	[hbm4b:s17+s3] =	stream.linear.scatter [tilespmem:s23], [sflag:$0x1], $0x500, $0x38;
	[tilespmem:$0x91A0] =	vst v63  }
0x96: {  	_ =	swait.ge [sflag:s22], $0x500  }
0x97: {  	[sflag:s22] =	ssyncset.done $0x0  }
0x98: {  	[sflag:s22] =	ssyncadd.s32 $0xFFFFFB00  }
0x99: {  	[tilespmem:s23], [sflag:$0x1] =	stream.linear.gather [spmem:s10], $0x500, $0x38;
	[tilespmem:$0x91A0] =	vst v63  }
0x9a: {  	_ =	swait.ge [sflag:s22], $0x500  }
0x9b: {  	[sflag:s22] =	ssyncset.done $0x0  }
0x9c: {  	[sflag:s22] =	ssyncadd.s32 $0xFFFFFB00  }
0x9d: {  	[hbm4b:s18+s3] =	stream.linear.scatter [tilespmem:s23], [sflag:$0x1], $0x500, $0x38;
	[tilespmem:$0x91A0] =	vst v63  }
0x9e: {  	_ =	swait.ge [sflag:s22], $0x500  }
0x9f: {  	[sflag:s22] =	ssyncset.done $0x0  }
0xa0: {  	[sflag:s22] =	ssyncadd.s32 $0xFFFFFB00  }
0xa1: {  	[tilespmem:s23], [sflag:$0x1] =	stream.linear.gather [spmem:s11], $0x500, $0x38;
	[tilespmem:$0x91A0] =	vst v63  }
0xa2: {  	_ =	swait.ge [sflag:s22], $0x500  }
0xa3: {  	[sflag:s22] =	ssyncset.done $0x0  }
0xa4: {  	[sflag:s22] =	ssyncadd.s32 $0xFFFFFB00  }
0xa5: {  	[hbm4b:s19+s3] =	stream.linear.scatter [tilespmem:s23], [sflag:$0x1], $0x500, $0x38;
	[tilespmem:$0x91A0] =	vst v63  }
0xa6: {  	_ =	swait.ge [sflag:s22], $0x500  }
0xa7: {  	[sflag:s22] =	ssyncset.done $0x0  }
0xa8: {  	[sflag:s22] =	ssyncadd.s32 $0xFFFFFB00  }
0xa9: {  	[tilespmem:s23], [sflag:$0x1] =	stream.linear.gather [spmem:s12], $0x410, $0x38;
	[tilespmem:$0x91A0] =	vst v63  }
0xaa: {  	s28 =	sadd.s32 $0x1, s28;
	_ =	swait.ge [sflag:s22], $0x410  }
0xab: {  	p0 =	sne.s32 s28, s21;
	[sflag:s22] =	ssyncset.done $0x0  }
.Ltmp2:
0xac: {  	[sflag:s22] =	ssyncadd.s32 $0xFFFFFBF0;
	(pc) =	sbr.rel @p0 .LBB2_1-.Ltmp2, $4  }
0xad: {  	[hbm4b:s20+s3] =	stream.linear.scatter [tilespmem:s23], [sflag:$0x1], $0x410, $0x38;
	[tilespmem:$0x91A0] =	vst v63  }
0xae: {  	_ =	swait.ge [sflag:s22], $0x410  }
0xaf: {  	[sflag:s22] =	ssyncset.done $0x0  }
0xb0: {  	[sflag:s22] =	ssyncadd.s32 $0xFFFFFBF0  }
0xb1: {  	_ =	sfence.sel $0x180000  }
0xb2: {  	[bflag:$0x0] =	sbarrier.arrive $0xFFFF  }
0xb3: {  	_ =	strace $0x90000047  }
0xb4: {  	s0 =	stileid.u32;
	[bflag:$0x2] =	sbarrier.arrive $0xFFFF  }
0xb5: {  	p0 =	sne.s32 s0, $0x0;
	s0 =	rddreg [dreg:$0x2]  }
0xb6: {  	s0 =	sadd.s32 @!p0 $0x100000, s0  }
0xb7: {  	[sflag:s0] =	ssyncadd.tile.s32 @!p0 $0x1;
	_ =	shalt  }
.Lfunc_end2:
_tile_overlayer_lowered:
.L_overlay_start_2:
0xb8: {  	(tag) =	ssettag $0x2  }
0xb9: {  	s0 =	rddreg [dreg:$0x0];
	s2 =	stileid.u32  }
0xba: {  	s1 =	rddreg [dreg:$0x1];
	p0 =	sne.s32 s2, $0x0  }
0xbb: {  	s3 =	rddreg [dreg:$0x2];
	[bflag:$0x3] =	sbarrier.arrive $0xFFFF;
	s2 =	simm.s32 @!p0 $0x1C01  }
0xbc: {  	[timem:s3], [sflag:s2] =	dma.local @!p0 [hbm:s0], s1  }
0xbd: {  	s0 =	simm.s32 @!p0 $0x1  }
0xbe: {  	_ =	swait.ge @!p0 [sflag:s0], s1  }
0xbf: {  	s1 =	ssub.s32 @!p0 $0x0, s1;
	[sflag:s0] =	ssyncset.done @!p0 $0x0  }
0xc0: {  	[sflag:s0] =	ssyncadd.s32 @!p0 s1  }
0xc1: {  	[bflag:$0x3] =	sbarrier.arrive $0xFFFF  }
0xc2: {  	_ =	shalt  }

// kernel: kernel.9.cloned.1.call-start
scs
__scs_entry_jumppad:
0x0: {  	(pc) =	sbr.rel $0x88, $3  }
0x1: {  	(tag) =	ssettag $0x0;
	lr =	simm.s32 $0x1  }
0x2: {  	[smem:$0x3F97] =	sst lr;
	_ =	strace $0xD0000000  }
0x3: {  	_ = 	snop  }
0x4: {  	_ = 	snop  }
0x5: {  	_ = 	snop  }
0x6: {  	_ = 	snop  }
0x7: {  	_ = 	snop  }
__scs_overlays_trampoline_lowered:
0x8: {  	[smem:$0x3FA6] =	sst s0  }
0x9: {  	[smem:$0x3FA7] =	sst s1  }
0xa: {  	[smem:$0x3FA8] =	sst s2  }
0xb: {  	[smem:$0x3FA9] =	sst s3  }
0xc: {  	[smem:$0x3FAA] =	sst s4  }
0xd: {  	[smem:$0x3FAB] =	sst s5  }
0xe: {  	[smem:$0x3FAC] =	sst s6  }
0xf: {  	[smem:$0x3FAD] =	sst s7  }
0x10: {  	[smem:$0x3FAE] =	sst s8  }
0x11: {  	[smem:$0x3FAF] =	sst s9;
	s0 =	simm.s32 @!p0 $0x0  }
0x12: {  	s1 =	sld [smem:$0x3F95];
	s0 =	simm.s32 @p0 $0x1  }
0x13: {  	[smem:$0x3FB0] =	sst s0;
	s0 =	simm.s32 @!p1 $0x0  }
0x14: {  	s2 =	sld [smem:$0x3F94];
	s0 =	simm.s32 @p1 $0x1  }
0x15: {  	[smem:$0x3FB1] =	sst s0;
	s0 =	simm.s32 @!p2 $0x0  }
0x16: {  	s3 =	sld [smem:$0x3FDB];
	s0 =	simm.s32 @p2 $0x1  }
0x17: {  	s4 =	simm.s32 $0x1BF5;
	[smem:$0x3FB3] =	sst s0  }
0x18: {  	s0 =	sld [smem:$0x3F96];
	_ =	swait.ge [sflag:s4], $0x0  }
0x19: {  	s7 =	sld [smem:$0x3F97]  }
0x1a: {  	s8 =	sadd.s32 $0xFFFFE003, lr  }
0x1b: {  	s9 =	sadd.s32 $0xFFFFFEF7, lr;
	s5 =	simm.s32 $0xFFFFFFFF;
	p2 =	slt.u32 s8, $0xFFFFF086  }
0x1c: {  	p1 =	slt.u32 s9, $0xF7A;
	s5 =	simm.s32 @!p2 $0x0  }
0x1d: {  	s5 =	simm.s32 @p1 $0x1;
	p0 =	seq.s32 s7, s2  }
0x1e: {  	s7 =	smul.u32 @!p0 $0xF7A, s2;
	p2 =	seq.s32 @!p0 s5, $0x0  }
0x1f: {  	s9 =	smul.u32 $0xF7A, s1;
	s8 =	simm.s32 @!p0 $0x1BF5;
	p2 =	por !p2, p0  }
0x20: {  	[sflag:s8] =	ssyncset.s32 @!p0 $0xFFFFF086;
	s6 =	sadd.s32 @!p0 s3, s7;
	s7 =	simm.s32 @!p0 $0x108  }
0x21: {  	s3 =	sadd.s32 s3, s9;
	s6 =	sadd.s32 @!p0 $0x88, s6;
	s7 =	simm.s32 @p2 $0x1082  }
0x22: {  	[simem:s7], [sflag:s8] =	dma.local @!p0 [hbm:s6], $0xF7A  }
0x23: {  	s9 =	sor.u32 $0xD0000000, s2;
	s6 =	simm.s32 $0x108;
	_ =	swait.ge @!p0 [sflag:s8], $0x0  }
0x24: {  	s3 =	sadd.s32 $0x88, s3;
	s6 =	simm.s32 @!p1 $0x1082;
	[sflag:s4] =	ssyncset.s32 $0xFFFFF086  }
0x25: {  	[simem:s6], [sflag:s4] =	dma.local [hbm:s3], $0xF7A  }
0x26: {  	[smem:$0x3F97] =	sst s1;
	(tag) =	ssettag s2;
	_ =	strace s9  }
0x27: {  	s1 =	sld [smem:$0x3FA7]  }
0x28: {  	s2 =	sld [smem:$0x3FA8]  }
0x29: {  	s4 =	sld [smem:$0x3FAA]  }
0x2a: {  	p0 =	seq.s32 s5, $0x0;
	s5 =	sld [smem:$0x3FAB]  }
0x2b: {  	s6 =	sld [smem:$0x3FAC]  }
0x2c: {  	s7 =	sld [smem:$0x3FAD]  }
0x2d: {  	s3 =	simm.s32 $0x108;
	s8 =	sld [smem:$0x3FAE]  }
0x2e: {  	s3 =	simm.s32 @!p0 $0x1082;
	s9 =	sld [smem:$0x3FAF]  }
0x2f: {  	lr =	sadd.s32 s0, s3;
	s0 =	sld [smem:$0x3FA6]  }
0x30: {  	s3 =	sld [smem:$0x3FA9]  }
0x31: {  	[smem:$0x3FB2] =	sst s10  }
0x32: {  	s10 =	sld [smem:$0x3FB0];
	_ =	sdelay $0x3  }
0x33: {  	p0 =	seq.s32 s10, $0x1;
	s10 =	sld [smem:$0x3FB2];
	_ =	sdelay $0x3  }
0x34: {  	[smem:$0x3FB2] =	sst s10  }
0x35: {  	s10 =	sld [smem:$0x3FB1];
	_ =	sdelay $0x3  }
0x36: {  	p1 =	seq.s32 s10, $0x1;
	s10 =	sld [smem:$0x3FB2];
	_ =	sdelay $0x3  }
0x37: {  	[smem:$0x3FB2] =	sst s10  }
0x38: {  	s10 =	sld [smem:$0x3FB3]  }
0x39: {  	_ = 	snop;
	(pc) =	sbr.ind lr, $3  }
0x3a: {  	_ = 	snop  }
0x3b: {  	_ = 	snop  }
0x3c: {  	p2 =	seq.s32 s10, $0x1;
	s10 =	sld [smem:$0x3FB2]  }
0x3d: {  	_ =	shalt  }
0x3e: {  	_ =	shalt  }
0x3f: {  	_ =	shalt  }
0x40: {  	_ =	shalt  }
0x41: {  	_ =	shalt  }
0x42: {  	_ =	shalt  }
0x43: {  	_ =	shalt  }
0x44: {  	_ =	shalt  }
0x45: {  	_ =	shalt  }
0x46: {  	_ =	shalt  }
0x47: {  	_ =	shalt  }
0x48: {  	_ =	shalt  }
0x49: {  	_ =	shalt  }
0x4a: {  	_ =	shalt  }
0x4b: {  	_ =	shalt  }
0x4c: {  	_ =	shalt  }
0x4d: {  	_ =	shalt  }
0x4e: {  	_ =	shalt  }
0x4f: {  	_ =	shalt  }
0x50: {  	_ =	shalt  }
0x51: {  	_ =	shalt  }
0x52: {  	_ =	shalt  }
0x53: {  	_ =	shalt  }
0x54: {  	_ =	shalt  }
0x55: {  	_ =	shalt  }
0x56: {  	_ =	shalt  }
0x57: {  	_ =	shalt  }
0x58: {  	_ =	shalt  }
0x59: {  	_ =	shalt  }
0x5a: {  	_ =	shalt  }
0x5b: {  	_ =	shalt  }
0x5c: {  	_ =	shalt  }
0x5d: {  	_ =	shalt  }
0x5e: {  	_ =	shalt  }
0x5f: {  	_ =	shalt  }
0x60: {  	_ =	shalt  }
0x61: {  	_ =	shalt  }
0x62: {  	_ =	shalt  }
0x63: {  	_ =	shalt  }
0x64: {  	_ =	shalt  }
0x65: {  	_ =	shalt  }
0x66: {  	_ =	shalt  }
0x67: {  	_ =	shalt  }
0x68: {  	_ =	shalt  }
0x69: {  	_ =	shalt  }
0x6a: {  	_ =	shalt  }
0x6b: {  	_ =	shalt  }
0x6c: {  	_ =	shalt  }
0x6d: {  	_ =	shalt  }
0x6e: {  	_ =	shalt  }
0x6f: {  	_ =	shalt  }
0x70: {  	_ =	shalt  }
0x71: {  	_ =	shalt  }
0x72: {  	_ =	shalt  }
0x73: {  	_ =	shalt  }
0x74: {  	_ =	shalt  }
0x75: {  	_ =	shalt  }
0x76: {  	_ =	shalt  }
0x77: {  	_ =	shalt  }
0x78: {  	_ =	shalt  }
0x79: {  	_ =	shalt  }
0x7a: {  	_ =	shalt  }
0x7b: {  	_ =	shalt  }
0x7c: {  	_ =	shalt  }
0x7d: {  	_ =	shalt  }
0x7e: {  	_ =	shalt  }
0x7f: {  	_ =	shalt  }
0x80: {  	_ =	shalt  }
0x81: {  	_ =	shalt  }
0x82: {  	_ =	shalt  }
0x83: {  	_ =	shalt  }
0x84: {  	_ =	shalt  }
0x85: {  	_ =	shalt  }
0x86: {  	_ =	shalt  }
0x87: {  	_ =	shalt  }
.Lfunc_end0:
.L_simem_size_0:
called_computation.1_lowered:
.L_overlay_start_0:
0x88: {  	s2 =	sld [smem:$0x3FD9]  }
0x89: {  	s3 =	sld [smem:$0x3FFE];
	_ =	sdelay $0x1  }
0x8a: {  	s1 =	srdreg.scid  }
0x8b: {  	s0 =	sand.u32 $0x1, s1  }
0x8c: {  	s16 =	sshll.u32 s0, $0xA;
	s2 =	sadd.s32 s3, s2  }
0x8d: {  	s2 =	sadd.s32 s2, s16  }
0x8e: {  	[smem:$0x3FBE] =	sst s2  }
0x8f: {  	_ = 	snop  }
0x90: {  	(tm) =	ssettm $0x1  }
0x91: {  	s17 =	sld [smem:$0x3FFB];
	_ =	sdelay $0x3  }
0x92: {  	_ =	strace s17  }
0x93: {  	s2 =	sld [smem:$0x3FFC];
	_ =	sdelay $0x3  }
0x94: {  	_ =	strace s2  }
0x95: {  	s2 =	sld [smem:$0x3FFD];
	_ =	sdelay $0x3  }
0x96: {  	_ =	strace s2  }
0x97: {  	_ =	strace $0x8FFFFFFF  }
0x98: {  	s18 =	sld [smem:$0x3FDB];
	_ =	sdelay $0x1  }
0x99: {  	s19 =	simm.s32 $_scs_section_size  }
0x9a: {  	s4 =	simm.s32 $_size__tile_overlayer_lowered;
	s5 =	simm.s32 $_tile_overlayer_lowered  }
0x9b: {  	s22 =	simm.s32 $0x1BFF;
	s21 =	sshll.u32 s5, $0x1;
	s2 =	sadd.s32 s19, s18  }
0x9c: {  	s6 =	simm.s32 $0x0;
	s20 =	sshll.u32 s4, $0x1;
	s4 =	sadd.s32 s21, s2  }
0x9d: {  	[timem:s6], [sflag:s22] =	dma.local [hbm:s4], s20  }
0x9e: {  	_ =	swait.ge [sflag:s22], s20  }
0x9f: {  	s3 =	ssub.s32 $0x0, s20;
	[sflag:s22] =	ssyncset.done $0x0  }
0xa0: {  	[sflag:s22] =	ssyncadd.s32 s3;
	_ =	sdelay $0x1  }
0xa1: {  	s23 =	simm.s32 $0x1B8B  }
0xa2: {  	_ =	swait.ge [sflag:s23], $0x1  }
0xa3: {  	[sflag:s23] =	ssyncset.done $0x0  }
0xa4: {  	s25 =	simm.s32 $0x1B8E;
	s24 =	sld [smem:$0x3FFE];
	[sflag:s23] =	ssyncadd.s32 $0xFFFFFFFF  }
0xa5: {  	s26 =	simm.s32 $execute0_lowered;
	[smem:$0x3FD2] =	sst s25  }
0xa6: {  	s4 =	sshll.u32 s26, $0x1;
	_ =	strace $0x80000049;
	[dreg:$0x1] =	wrdreg $0xFFFFFFFF  }
0xa7: {  	s28 =	simm.s32 $_size_execute0_lowered;
	s2 =	sadd.s32 s2, s4;
	[dreg:$0x0] =	wrdreg $0x0  }
0xa8: {  	s4 =	sshll.u32 s28, $0x1;
	[dreg:$0x2] =	wrdreg s2  }
0xa9: {  	[dreg:$0x3] =	wrdreg s4  }
0xaa: {  	[dreg:$0x4] =	wrdreg $0xC0  }
0xab: {  	_ =	task [dreg:s6], $0x5FFFF  }
0xac: {  	[dreg:$0x1] =	wrdreg $0xFFFFFFFF  }
0xad: {  	[dreg:$0x0] =	wrdreg $0x60  }
0xae: {  	[dreg:$0x2] =	wrdreg s24  }
0xaf: {  	[dreg:$0x3] =	wrdreg $0x9E200  }
0xb0: {  	[dreg:$0x4] =	wrdreg $0x9  }
0xb1: {  	_ =	task.clear_ibuf [dreg:s6], $0x5FFFF;
	_ =	strace $0x90000049  }
0xb2: {  	s29 =	simm.s32 $0x9;
	_ =	strace $0x8000004B  }
0xb3: {  	_ =	swait.ge [sflag:s29], $0x1  }
0xb4: {  	[sflag:s29] =	ssyncadd.s32 $0xFFFFFFFF  }
0xb5: {  	_ =	strace $0x9000004B  }
0xb6: {  	_ =	sfence  }
0xb7: {  	s30 =	sld [smem:$0x0];
	_ =	sdelay $0x2  }
0xb8: {  	s31 =	sshll.u32 s1, $0xD;
	s1 =	sshrl.u32 s1, $0x2  }
0xb9: {  	s3 =	sand.u32 $0x4000, s31;
	s1 =	sadd.s32 s1, s30  }
0xba: {  	s0 =	sor.u32 s3, s0;
	s1 =	sshll.u32 s1, $0x11  }
0xbb: {  	s0 =	sor.u32 s1, s0  }
0xbc: {  	s0 =	sadd.s32 $0x8F2B, s0  }
0xbd: {  	[sflag:s0] =	ssyncadd.remote.s32 $0x1  }
0xbe: {  	_ =	sfence.sel $0xFFFF  }
0xbf: {  	[dreg:$0x0] =	wrdreg $0xFFFFFFFF;
	(pc) =	sbr.abs _section_cstart, $3  }
0xc0: {  	[dreg:$0x1] =	wrdreg $0xFFFFFFFF  }
0xc1: {  	_ =	task.clear_ibuf [dreg:s6], $0x2FFFF;
	_ =	strace $0x9FFFFFFF  }
0xc2: {  	(tm) =	ssettm $0x7FFFFFFF  }
0xc3: {  	_ =	shalt  }
tec
execute0_lowered:
.L_overlay_start_1:
0x0: {  	(tag) =	ssettag $0x1  }
0x1: {  	s0 =	srdreg.scid;
	s5 =	rddreg [dreg:$0x0]  }
0x2: {  	s2 =	rddreg [dreg:$0x1];
	s3 =	simm.s32 $0x0;
	s19 =	simm.s32 $0x3  }
0x3: {  	s20 =	simm.s32 $0x2710;
	s21 =	simm.s32 $0x4E20;
	s22 =	simm.s32 $0x50  }
0x4: {  	s23 =	simm.s32 $0x1;
	s24 =	simm.s32 $0x7620;
	s25 =	simm.s32 $0x2  }
0x5: {  	s26 =	simm.s32 $0x4DD0;
	s7 =	sand.u32 $0x1, s0;
	s0 =	stileid.u32  }
0x6: {  	s28 =	simm.s32 $0x0;
	[smem:$0x7FF] =	sst s3;
	s8 =	smul.u32 $0x13880, s0  }
0x7: {  	s4 =	sadd.s32 $0x64400, s5;
	s1 =	sshll.u32 s7, $0x4;
	s9 =	smul.u32 $0x138800, s7  }
0x8: {  	s10 =	ssub.s32 $0x2, s7;
	s30 =	smul.u32 $0x4E200, s0;
	s1 =	sor.u32 s0, s1  }
0x9: {  	p0 =	seq.s32 s7, $0x1;
	s29 =	sshrl.u32 s10, $0x1;
	s6 =	smul.u32 $0x2710, s1  }
0xa: {  	s1 =	rddreg [dreg:$0x2];
	_ =	strace $0x8000004A;
	s9 =	sadd.s32 s8, s9  }
0xb: {  	s18 =	ssub.s32 s10, s29;
	s31 =	sshrl.u32 s8, $0x3;
	s7 =	sadd.s32 s8, s2  }
0xc: {  	s9 =	sshrl.u32 s9, $0x3;
	s8 =	sadd.s32 s4, s31;
	s18 =	smax.u32 s18, $0x1  }
0xd: {  	s6 =	sshrl.u32 s6, $0x3;
	s17 =	sadd.s32 s9, s5;
	s9 =	sshrl.u32 s30, $0x2  }
0xe: {  	s6 =	sadd.s32 s6, s5;
	s9 =	sadd.s32 s9, s2;
	s17 =	sadd.s32 $0x8B600, s17  }
0xf: {  	s5 =	sadd.s32 $0x2800, s6;
	s6 =	sadd.s32 $0xC440, s6;
	s10 =	sadd.s32 $0x2800, s9  }
0x10: {  	s11 =	sadd.s32 $0x5000, s9;
	s12 =	sadd.s32 $0x7800, s9;
	s13 =	sadd.s32 $0xA000, s9  }
0x11: {  	v0 =	vimm.f32 $0.0e+00;
	s14 =	sadd.s32 $0xC800, s9;
	s15 =	sadd.s32 $0xF000, s9;
	s16 =	sadd.s32 $0x11800, s9  }
.LBB2_1:
0x12: {  	[tilespmem:s3], [sflag:$0x3] =	stream.linear.gather [hbm4b:s5+s3], $0x2710, $0x38;
	[tilespmem:$0x1D6A0] =	vst v63  }
0x13: {  	_ =	swait.ge [sflag:s19], $0x2710  }
0x14: {  	[sflag:s19] =	ssyncset.done $0x0  }
.Ltmp0:
0x15: {  	[sflag:s19] =	ssyncadd.s32 $0xFFFFD8F0;
	(pc) =	sbr.rel @!p0 .LBB2_2-.Ltmp0, $4  }
0x16: {  	[tilespmem:s20], [sflag:$0x3] =	stream.linear.gather [hbm4b:s6+s3], $0x2710, $0x38;
	[tilespmem:$0x1D6A0] =	vst v63  }
0x17: {  	_ =	swait.ge [sflag:s19], $0x2710  }
0x18: {  	[sflag:s19] =	ssyncset.done $0x0  }
0x19: {  	[sflag:s19] =	ssyncadd.s32 $0xFFFFD8F0  }
0x1a: {  	s29 =	sshra.s32 s3, $0x2;
	s30 =	sadd.s32 $0x200, s3  }
.LBB2_4:
0x1b: {  	p1 =	sne.s32 s30, $0x9E00;
	[tilespmem:s29+$0x4E90] =	vst v0  }
0x1c: {  	[tilespmem:s29+$0x4E20] =	vst v0  }
0x1d: {  	[tilespmem:s29+$0x4E30] =	vst v0  }
.Ltmp1:
0x1e: {  	[tilespmem:s29+$0x4E40] =	vst v0;
	(pc) =	sbr.rel @p1 .LBB2_4-.Ltmp1, $4  }
0x1f: {  	[tilespmem:s29+$0x4E50] =	vst v0  }
0x20: {  	[tilespmem:s29+$0x4E60] =	vst v0  }
0x21: {  	[tilespmem:s29+$0x4E70] =	vst v0  }
0x22: {  	[tilespmem:s29+$0x4E80] =	vst v0;
	s29 =	sshra.s32 s30, $0x2;
	s30 =	sadd.s32 $0x200, s30  }
0x23: {  	[tilespmem:s29+$0x4E90] =	vst v0  }
0x24: {  	[tilespmem:s29+$0x4E20] =	vst v0  }
0x25: {  	[tilespmem:s29+$0x4E30] =	vst v0  }
0x26: {  	[tilespmem:s29+$0x4E40] =	vst v0  }
0x27: {  	[tilespmem:s29+$0x4E50] =	vst v0  }
0x28: {  	[tilespmem:s29+$0x4E60] =	vst v0  }
0x29: {  	[tilespmem:s29+$0x4E70] =	vst v0  }
0x2a: {  	[tilespmem:s29+$0x4E80] =	vst v0  }
0x2b: {  	[spmem:s9] =	stream.linear.scatter [tilespmem:s21], [sflag:$0x3], $0x2800, $0x38;
	[tilespmem:$0x1D6A0] =	vst v63  }
0x2c: {  	_ =	swait.ge [sflag:s19], $0x2800  }
0x2d: {  	[sflag:s19] =	ssyncset.done $0x0  }
0x2e: {  	[sflag:s19] =	ssyncadd.s32 $0xFFFFD800  }
0x2f: {  	[spmem:s10] =	stream.linear.scatter [tilespmem:s21], [sflag:$0x3], $0x2800, $0x38;
	[tilespmem:$0x1D6A0] =	vst v63  }
0x30: {  	_ =	swait.ge [sflag:s19], $0x2800  }
0x31: {  	[sflag:s19] =	ssyncset.done $0x0  }
0x32: {  	[sflag:s19] =	ssyncadd.s32 $0xFFFFD800  }
0x33: {  	[spmem:s11] =	stream.linear.scatter [tilespmem:s21], [sflag:$0x3], $0x2800, $0x38;
	[tilespmem:$0x1D6A0] =	vst v63  }
0x34: {  	_ =	swait.ge [sflag:s19], $0x2800  }
0x35: {  	[sflag:s19] =	ssyncset.done $0x0  }
0x36: {  	[sflag:s19] =	ssyncadd.s32 $0xFFFFD800  }
0x37: {  	[spmem:s12] =	stream.linear.scatter [tilespmem:s21], [sflag:$0x3], $0x2800, $0x38;
	[tilespmem:$0x1D6A0] =	vst v63  }
0x38: {  	_ =	swait.ge [sflag:s19], $0x2800  }
0x39: {  	[sflag:s19] =	ssyncset.done $0x0  }
0x3a: {  	[sflag:s19] =	ssyncadd.s32 $0xFFFFD800  }
0x3b: {  	[spmem:s13] =	stream.linear.scatter [tilespmem:s21], [sflag:$0x3], $0x2800, $0x38;
	[tilespmem:$0x1D6A0] =	vst v63  }
0x3c: {  	_ =	swait.ge [sflag:s19], $0x2800  }
0x3d: {  	[sflag:s19] =	ssyncset.done $0x0  }
0x3e: {  	[sflag:s19] =	ssyncadd.s32 $0xFFFFD800  }
0x3f: {  	[spmem:s14] =	stream.linear.scatter [tilespmem:s21], [sflag:$0x3], $0x2800, $0x38;
	[tilespmem:$0x1D6A0] =	vst v63  }
0x40: {  	_ =	swait.ge [sflag:s19], $0x2800  }
0x41: {  	[sflag:s19] =	ssyncset.done $0x0  }
0x42: {  	[sflag:s19] =	ssyncadd.s32 $0xFFFFD800  }
0x43: {  	[spmem:s15] =	stream.linear.scatter [tilespmem:s21], [sflag:$0x3], $0x2800, $0x38;
	[tilespmem:$0x1D6A0] =	vst v63  }
0x44: {  	_ =	swait.ge [sflag:s19], $0x2800  }
0x45: {  	[sflag:s19] =	ssyncset.done $0x0  }
.Ltmp2:
0x46: {  	[sflag:s19] =	ssyncadd.s32 $0xFFFFD800;
	(pc) =	sbr.rel .LBB2_6-.Ltmp2, $4  }
0x47: {  	[spmem:s16] =	stream.linear.scatter [tilespmem:s21], [sflag:$0x3], $0x2080, $0x38;
	[tilespmem:$0x1D6A0] =	vst v63  }
0x48: {  	_ =	swait.ge [sflag:s19], $0x2080  }
0x49: {  	[sflag:s19] =	ssyncset.done $0x0  }
0x4a: {  	[sflag:s19] =	ssyncadd.s32 $0xFFFFDF80  }
.LBB2_2:
0x4b: {  	s29 =	sshll.u32 s0, $0x6  }
0x4c: {  	s30 =	sshrl.u32 s7, $0x3;
	s29 =	sor.u32 $0x1C03, s29  }
0x4d: {  	[spmem:s30], [sflag:s29] =	dma.local [hbm:s8], $0x2710  }
0x4e: {  	_ =	swait.ge [sflag:s19], $0x2710  }
0x4f: {  	[sflag:s19] =	ssyncset.done $0x0  }
0x50: {  	[sflag:s19] =	ssyncadd.s32 $0xFFFFD8F0  }
.LBB2_6:
0x51: {  	[bflag:$0x0] =	sbarrier.arrive $0xFFFF;
	s29 =	simm.s32 $0x0  }
0x52: {  	[tilespmem:s21], [sflag:$0x1] =	stream.indirect.gather [hbm4b:s4+s22], $0x80, s29, s22, $0xb8;
	[tilespmem:$0x1D6A0] =	vst v63  }
0x53: {  	_ =	swait.ge [sflag:s23], $0x2800  }
0x54: {  	[sflag:s23] =	ssyncset.done $0x0  }
0x55: {  	s29 =	simm.s32 $0x50;
	[sflag:s23] =	ssyncadd.s32 $0xFFFFD800  }
0x56: {  	[tilespmem:s24], [sflag:$0x2] =	stream.indirect.gather [hbm4b:s4+s22], $0x80, s29, s22, $0xb8;
	[tilespmem:$0x1D6A0] =	vst v63  }
0x57: {  	s29 =	simm.s32 $0x2710  }
0x58: {  	[spmem:s2] =	stream.indirect.scatter.add.f32 [tilespmem:s21], [sflag:$0x3], $0x80, s29, s22, $0xb8;
	[tilespmem:$0x1D6A0] =	vst v63  }
0x59: {  	_ =	swait.ge [sflag:s19], $0x2800  }
0x5a: {  	[sflag:s19] =	ssyncset.done $0x0  }
0x5b: {  	[sflag:s19] =	ssyncadd.s32 $0xFFFFD800  }
0x5c: {  	_ =	swait.ge [sflag:s25], $0x2800  }
0x5d: {  	[sflag:s25] =	ssyncset.done $0x0  }
0x5e: {  	s29 =	simm.s32 $0xA0;
	[sflag:s25] =	ssyncadd.s32 $0xFFFFD800  }
0x5f: {  	[tilespmem:s21], [sflag:$0x1] =	stream.indirect.gather [hbm4b:s4+s22], $0x80, s29, s22, $0xb8;
	[tilespmem:$0x1D6A0] =	vst v63  }
0x60: {  	s29 =	simm.s32 $0x2760  }
0x61: {  	[spmem:s2] =	stream.indirect.scatter.add.f32 [tilespmem:s24], [sflag:$0x3], $0x80, s29, s22, $0xb8;
	[tilespmem:$0x1D6A0] =	vst v63  }
0x62: {  	_ =	swait.ge [sflag:s19], $0x2800  }
0x63: {  	s29 =	simm.s32 $0x280;
	[sflag:s19] =	ssyncset.done $0x0  }
.LBB2_7:
0x64: {  	p1 =	sne.s32 s29, $0x9880  }
0x65: {  	[sflag:s19] =	ssyncadd.s32 $0xFFFFD800;
	s30 =	smov.u32 s29;
	s29 =	sadd.s32 $0x280, s29  }
0x66: {  	_ = 	snop  }
0x67: {  	_ =	swait.ge [sflag:s23], $0x2800  }
0x68: {  	s30 =	sshra.s32 s30, $0x2;
	[sflag:s23] =	ssyncset.done $0x0  }
0x69: {  	s31 =	sadd.s32 $0x50, s30;
	[sflag:s23] =	ssyncadd.s32 $0xFFFFD800  }
0x6a: {  	[tilespmem:s24], [sflag:$0x2] =	stream.indirect.gather [hbm4b:s4+s22], $0x80, s31, s22, $0xb8;
	[tilespmem:$0x1D6A0] =	vst v63  }
0x6b: {  	s31 =	sadd.s32 $0x2710, s30  }
0x6c: {  	[spmem:s2] =	stream.indirect.scatter.add.f32 [tilespmem:s21], [sflag:$0x3], $0x80, s31, s22, $0xb8;
	[tilespmem:$0x1D6A0] =	vst v63  }
0x6d: {  	_ =	swait.ge [sflag:s19], $0x2800  }
0x6e: {  	[sflag:s19] =	ssyncset.done $0x0  }
0x6f: {  	[sflag:s19] =	ssyncadd.s32 $0xFFFFD800  }
0x70: {  	_ =	swait.ge [sflag:s25], $0x2800  }
0x71: {  	[sflag:s25] =	ssyncset.done $0x0  }
0x72: {  	s31 =	sadd.s32 $0xA0, s30;
	[sflag:s25] =	ssyncadd.s32 $0xFFFFD800  }
0x73: {  	[tilespmem:s21], [sflag:$0x1] =	stream.indirect.gather [hbm4b:s4+s22], $0x80, s31, s22, $0xb8;
	[tilespmem:$0x1D6A0] =	vst v63  }
.Ltmp3:
0x74: {  	_ = 	snop;
	(pc) =	sbr.rel @p1 .LBB2_7-.Ltmp3, $4  }
0x75: {  	s30 =	sadd.s32 $0x2760, s30  }
0x76: {  	[spmem:s2] =	stream.indirect.scatter.add.f32 [tilespmem:s24], [sflag:$0x3], $0x80, s30, s22, $0xb8;
	[tilespmem:$0x1D6A0] =	vst v63  }
0x77: {  	_ =	swait.ge [sflag:s19], $0x2800  }
0x78: {  	[sflag:s19] =	ssyncset.done $0x0  }
0x79: {  	[sflag:s19] =	ssyncadd.s32 $0xFFFFD800  }
0x7a: {  	_ =	swait.ge [sflag:s23], $0x2800  }
0x7b: {  	[sflag:s23] =	ssyncset.done $0x0  }
0x7c: {  	[sflag:s23] =	ssyncadd.s32 $0xFFFFD800  }
0x7d: {  	[spmem:s2] =	stream.indirect.scatter.add.f32 [tilespmem:s21], [sflag:$0x3], $0x80, s26, s22, $0xb8;
	[tilespmem:$0x1D6A0] =	vst v63  }
0x7e: {  	_ =	swait.ge [sflag:s19], $0x2800  }
0x7f: {  	s29 =	sshll.u32 s0, $0x6;
	s28 =	sadd.s32 $0x1, s28;
	[sflag:s19] =	ssyncset.done $0x0  }
0x80: {  	s30 =	sshrl.u32 s7, $0x3;
	p1 =	sne.s32 s28, s18;
	[sflag:s19] =	ssyncadd.s32 $0xFFFFD800  }
.Ltmp4:
0x81: {  	s29 =	sor.u32 $0x1C03, s29;
	[bflag:$0x0] =	sbarrier.arrive $0xFFFF;
	(pc) =	sbr.rel @p1 .LBB2_1-.Ltmp4, $4  }
0x82: {  	[hbm:s17], [sflag:s29] =	dma.local [spmem:s30], $0x2710  }
0x83: {  	_ =	swait.ge [sflag:s19], $0x2710  }
0x84: {  	[sflag:s19] =	ssyncset.done $0x0  }
0x85: {  	[sflag:s19] =	ssyncadd.s32 $0xFFFFD8F0  }
0x86: {  	_ =	sfence.sel $0x180000  }
0x87: {  	[bflag:$0x0] =	sbarrier.arrive $0xFFFF  }
0x88: {  	p0 =	sne.s32 s0, $0x0;
	_ =	strace $0x9000004A  }
0x89: {  	s0 =	sadd.s32 @!p0 $0x100000, s1;
	[bflag:$0x2] =	sbarrier.arrive $0xFFFF  }
0x8a: {  	[sflag:s0] =	ssyncadd.tile.s32 @!p0 $0x1;
	_ =	shalt  }
.Lfunc_end2:
_tile_overlayer_lowered:
.L_overlay_start_2:
0x8b: {  	(tag) =	ssettag $0x2  }
0x8c: {  	s0 =	rddreg [dreg:$0x0];
	s2 =	stileid.u32  }
0x8d: {  	s1 =	rddreg [dreg:$0x1];
	p0 =	sne.s32 s2, $0x0  }
0x8e: {  	s3 =	rddreg [dreg:$0x2];
	[bflag:$0x3] =	sbarrier.arrive $0xFFFF;
	s2 =	simm.s32 @!p0 $0x1C03  }
0x8f: {  	[timem:s3], [sflag:s2] =	dma.local @!p0 [hbm:s0], s1  }
0x90: {  	s0 =	simm.s32 @!p0 $0x3  }
0x91: {  	_ =	swait.ge @!p0 [sflag:s0], s1  }
0x92: {  	s1 =	ssub.s32 @!p0 $0x0, s1;
	[sflag:s0] =	ssyncset.done @!p0 $0x0  }
0x93: {  	[sflag:s0] =	ssyncadd.s32 @!p0 s1  }
0x94: {  	[bflag:$0x3] =	sbarrier.arrive $0xFFFF  }
0x95: {  	_ =	shalt  }

</sc_bundles>
